<compile_context>
chip_gen: v7x
topology: tpu7x:2x2x1
jax: 0.10.2.dev20260603
libtpu: 0.0.44.dev20260713+nightly
codegen_flags: <defaults>
</compile_context>

<pallas_src>
import functools

import jax
import jax.numpy as jnp
from jax import lax
from jax.experimental import pallas as pl
from jax.experimental.pallas import tpu as pltpu, tpu_sc as plsc

_N = 10000
_E = 320000
_DF = 128
_NB = 64
_CH = 80


def _gather_rows(table, idx):
    info = plsc.get_sparse_core_info()
    nw = info.num_cores * info.num_subcores
    per_w = _E // nw
    n_iter = per_w // _CH
    mesh = plsc.VectorSubcoreMesh(core_axis_name="c", subcore_axis_name="s")

    @functools.partial(
        pl.kernel,
        mesh=mesh,
        out_type=jax.ShapeDtypeStruct((_E, _DF), jnp.float32),
        scratch_types=[
            pltpu.VMEM((_CH,), jnp.int32),
            pltpu.VMEM((_CH, _DF), jnp.float32),
            pltpu.SemaphoreType.DMA,
        ],
    )
    def k(table_hbm, idx_hbm, out_hbm, idx_v, rows_v, sem):
        wid = lax.axis_index("s") * info.num_cores + lax.axis_index("c")
        base0 = wid * per_w

        def body(i, carry):
            base = pl.multiple_of(base0 + i * _CH, 8)
            pltpu.sync_copy(idx_hbm.at[pl.ds(base, _CH)], idx_v)
            pltpu.async_copy(table_hbm.at[idx_v], rows_v, sem).wait()
            pltpu.sync_copy(rows_v, out_hbm.at[pl.ds(base, _CH)])
            return carry

        lax.fori_loop(0, n_iter, body, 0)

    return k(table, idx)


def _scatter_add(vals, idx, zeros):
    info = plsc.get_sparse_core_info()
    nw = info.num_cores * info.num_subcores
    per_w = _E // nw
    n_iter = per_w // _CH
    mesh = plsc.VectorSubcoreMesh(core_axis_name="c", subcore_axis_name="s")
    rows_per_drain = _N // 10

    @functools.partial(
        pl.kernel,
        mesh=mesh,
        out_type=(
            jax.ShapeDtypeStruct((_N, _DF), jnp.float32),
            jax.ShapeDtypeStruct((_N, _DF), jnp.float32),
        ),
        scratch_types=[
            pltpu.VMEM((_CH,), jnp.int32),
            pltpu.VMEM((_CH, _DF), jnp.float32),
            pltpu.VMEM_SHARED((_N, _DF), jnp.float32),
        ],
    )
    def k(vals_hbm, idx_hbm, zeros_hbm, out0_hbm, out1_hbm, idx_v, rows_v, acc):
        cid = lax.axis_index("c")
        sid = lax.axis_index("s")
        wid = sid * info.num_cores + cid
        base0 = wid * per_w

        @pl.when(sid == 0)
        def _():
            pltpu.sync_copy(zeros_hbm, acc)

        plsc.subcore_barrier()

        def body(i, carry):
            base = pl.multiple_of(base0 + i * _CH, 8)
            pltpu.sync_copy(idx_hbm.at[pl.ds(base, _CH)], idx_v)
            pltpu.sync_copy(vals_hbm.at[pl.ds(base, _CH)], rows_v)
            pltpu.sync_copy(rows_v, acc.at[idx_v], add=True)
            return carry

        lax.fori_loop(0, n_iter, body, 0)
        plsc.subcore_barrier()

        @pl.when(sid < 10)
        def _():
            r0 = pl.multiple_of(sid * rows_per_drain, 8)

            @pl.when(cid == 0)
            def _():
                pltpu.sync_copy(acc.at[pl.ds(r0, rows_per_drain)],
                                out0_hbm.at[pl.ds(r0, rows_per_drain)])

            @pl.when(cid == 1)
            def _():
                pltpu.sync_copy(acc.at[pl.ds(r0, rows_per_drain)],
                                out1_hbm.at[pl.ds(r0, rows_per_drain)])

    return k(vals, idx, zeros)


def _edge_body(d_ref, pad_ref, nr_ref, ns_ref, w1_ref, b1_ref, w2_ref,
               b2_ref, a_ref, b_ref, lo_ref, hi_ref, norms_ref, nums_ref):
    d = d_ref[...]
    lo = lo_ref[...]
    hi = hi_ref[...]
    ind = jnp.where((lo - d) * (d - hi) > 0.0, 1.0, 0.0)

    w1 = w1_ref[...]
    b1 = b1_ref[...]
    hidden = jnp.maximum(d * w1 + b1, 0.0)
    mlp = jnp.dot(hidden, w2_ref[...],
                  preferred_element_type=jnp.float32) + b2_ref[...]

    hmax = jnp.maximum(jnp.maximum(b1, 0.0), jnp.maximum(w1 + b1, 0.0))
    ub = b2_ref[...] + jnp.sum(jnp.maximum(w2_ref[...] * hmax.T, 0.0),
                               axis=0, keepdims=True)
    expm = jnp.exp(mlp - ub)

    ac = jnp.clip(a_ref[0, 0], 0.0, 1.0)
    bc = jnp.abs(b_ref[0, 0])
    diff = jnp.abs(ac * nr_ref[...] - (1.0 - ac) * ns_ref[...])
    pds = jnp.power(diff, bc)

    norms_ref[...] = jnp.concatenate([ind, expm], axis=1)
    pad = pad_ref[...]
    nums_ref[...] = jnp.concatenate(
        [ind * pds[:, :_NB], expm * pds[:, _NB:]], axis=1) * pad


def _node_body(nodes_ref, n0_ref, n1_ref, m0_ref, m1_ref, wself_ref,
               wg_ref, bg_ref, out_ref):
    norms = n0_ref[...] + n1_ref[...]
    nums = m0_ref[...] + m1_ref[...]
    s = norms[:, :_NB]
    z = norms[:, _NB:]
    g_ind = nums[:, :_NB] / (s + 1e-5)
    g_mlp = jnp.where(z > 0.0, nums[:, _NB:] / jnp.where(z > 0.0, z, 1.0), 0.0)
    gathered = jnp.concatenate([g_ind, g_mlp], axis=1)
    out = jnp.dot(nodes_ref[...], wself_ref[...],
                  preferred_element_type=jnp.float32)
    out += jnp.dot(gathered, wg_ref[...],
                   preferred_element_type=jnp.float32) + bg_ref[...]
    out_ref[...] = jnp.maximum(out, 0.0)


@jax.jit
def kernel(nodes, distance, edges_padding, W1, b1, W2, b2, a, b, Wself, Wg,
           bg, receivers, senders):
    n = nodes.shape[0]
    e = distance.shape[0]
    nr = _gather_rows(nodes, receivers)
    ns = _gather_rows(nodes, senders)

    bins = jnp.linspace(0.0, 1.0, _NB + 1, dtype=jnp.float32)
    lo = bins[:-1].reshape(1, _NB)
    hi = bins[1:].reshape(1, _NB)
    eb = 512
    row = lambda i: (i, 0)
    fixed = lambda i: (0, 0)
    norms, nums = pl.pallas_call(
        _edge_body,
        grid=(e // eb,),
        in_specs=[
            pl.BlockSpec((eb, 1), row),
            pl.BlockSpec((eb, 1), row),
            pl.BlockSpec((eb, _DF), row),
            pl.BlockSpec((eb, _DF), row),
            pl.BlockSpec((1, _NB), fixed),
            pl.BlockSpec((1, _NB), fixed),
            pl.BlockSpec((_NB, _NB), fixed),
            pl.BlockSpec((1, _NB), fixed),
            pl.BlockSpec((1, 1), fixed),
            pl.BlockSpec((1, 1), fixed),
            pl.BlockSpec((1, _NB), fixed),
            pl.BlockSpec((1, _NB), fixed),
        ],
        out_specs=[pl.BlockSpec((eb, _DF), row), pl.BlockSpec((eb, _DF), row)],
        out_shape=[
            jax.ShapeDtypeStruct((e, _DF), jnp.float32),
            jax.ShapeDtypeStruct((e, _DF), jnp.float32),
        ],
    )(distance.reshape(e, 1), edges_padding.reshape(e, 1), nr, ns,
      W1, b1.reshape(1, _NB), W2, b2.reshape(1, _NB),
      a.reshape(1, 1), b.reshape(1, 1), lo, hi)

    zeros = jnp.zeros((n, _DF), dtype=jnp.float32)
    n0, n1 = _scatter_add(norms, receivers, zeros)
    m0, m1 = _scatter_add(nums, receivers, zeros)

    nb = 1000
    out = pl.pallas_call(
        _node_body,
        grid=(n // nb,),
        in_specs=[
            pl.BlockSpec((nb, _DF), row),
            pl.BlockSpec((nb, _DF), row),
            pl.BlockSpec((nb, _DF), row),
            pl.BlockSpec((nb, _DF), row),
            pl.BlockSpec((nb, _DF), row),
            pl.BlockSpec((_DF, _DF), fixed),
            pl.BlockSpec((_DF, _DF), fixed),
            pl.BlockSpec((1, _DF), fixed),
        ],
        out_specs=pl.BlockSpec((nb, _DF), row),
        out_shape=jax.ShapeDtypeStruct((n, _DF), jnp.float32),
    )(nodes, n0, n1, m0, m1, Wself, Wg, bg.reshape(1, _DF))
    return out

# --- scband reference (transcript-rebuilt; emitter-appended) ---
"""Pipeline reference for scband-spatial-graph-conv-41248865911146 (READ-ONLY COPY).

The authoritative reference and input builder live on the scoring server;
editing this copy changes nothing except your own understanding.
"""

import jax, jax.numpy as jnp
import numpy as np

N = 10000
E = 320000
DFEAT = 128
NBINS = 64
NMLP = 64
DHID = 64
DMAX = 1.0


def normalize_edges(edges, segment_ids, num_segments):
    sums = jax.ops.segment_sum(edges, segment_ids=segment_ids, num_segments=num_segments, indices_are_sorted=True)
    return edges / (sums[segment_ids] + 1e-05)


def softmax_edges(edges, segment_ids, num_segments):
    maxs = jax.ops.segment_max(edges, segment_ids=segment_ids, num_segments=num_segments, indices_are_sorted=True)
    edges = edges - maxs[segment_ids]
    edges = jnp.exp(edges)
    sums = jax.ops.segment_sum(edges, segment_ids=segment_ids, num_segments=num_segments, indices_are_sorted=True)
    return edges / sums[segment_ids]


def setup_inputs(seed: int = 0):
    key = jax.random.key(seed)
    ks = jax.random.split(key, 10)
    nodes = jax.random.normal(ks[0], (N, DFEAT), dtype=jnp.float32)
    distance = jax.random.uniform(ks[1], (E,), dtype=jnp.float32) * DMAX
    receivers = jnp.sort(jax.random.randint(ks[2], (E,), 0, N, dtype=jnp.int32))
    offs = jax.random.randint(ks[3], (E,), 1, N, dtype=jnp.int32)
    senders = (receivers + offs) % N
    edges_padding = jnp.ones((E,), dtype=jnp.float32)
    W1 = jax.random.normal(ks[4], (1, DHID), dtype=jnp.float32) * 0.5
    b1 = jnp.zeros((DHID,), dtype=jnp.float32)
    W2 = jax.random.normal(ks[5], (DHID, NMLP), dtype=jnp.float32) * (1.0 / np.sqrt(DHID))
    b2 = jnp.zeros((NMLP,), dtype=jnp.float32)
    a = jnp.array([0.5], dtype=jnp.float32)
    b = jnp.array([2.0], dtype=jnp.float32)
    Wself = jax.random.normal(ks[6], (DFEAT, NBINS + NMLP), dtype=jnp.float32) * (1.0 / np.sqrt(DFEAT))
    Wg = jax.random.normal(ks[7], (NBINS + NMLP, NBINS + NMLP), dtype=jnp.float32) * (1.0 / np.sqrt(NBINS + NMLP))
    bg = jnp.zeros((NBINS + NMLP,), dtype=jnp.float32)
    return {"nodes": nodes, "distance": distance, "edges_padding": edges_padding, "W1": W1, "b1": b1, "W2": W2, "b2": b2, "a": a, "b": b, "Wself": Wself, "Wg": Wg, "bg": bg, "receivers": receivers, "senders": senders}


def reference(nodes, distance, edges_padding, W1, b1, W2, b2, a, b, Wself, Wg, bg, receivers, senders):
    n = nodes.shape[0]
    d = distance.reshape(-1, 1)
    bins = jnp.linspace(0.0, DMAX, NBINS + 1, dtype=jnp.float32)
    indicator = jnp.heaviside((bins[None, :-1] - d) * (d - bins[None, 1:]), 0.0)
    indicator_weights = normalize_edges(indicator, receivers, n)
    hidden = jnp.maximum(d @ W1 + b1, 0.0)
    mlp = hidden @ W2 + b2
    mlp_weights = softmax_edges(mlp, receivers, n)
    weights = jnp.hstack((indicator_weights, mlp_weights)) * edges_padding.reshape(-1, 1)
    ac = jnp.clip(a, 0.0, 1.0)
    bc = jnp.abs(b)
    edge_pds = jnp.power(jnp.abs(ac * nodes[receivers] - (1.0 - ac) * nodes[senders]), bc)
    gathered = jax.ops.segment_sum(weights * edge_pds, segment_ids=receivers, num_segments=n, indices_are_sorted=True)
    out = nodes @ Wself + (gathered @ Wg + bg)
    return jnp.maximum(out, 0.0)

if __name__ == "__main__":
    import jax
    _d = setup_inputs()
    print(jax.jit(kernel)(*tuple(_d.values())))

</pallas_src>

<mosaic_0001>
#map = affine_map<(d0, d1) -> (0, 0)>
#map1 = affine_map<(d0, d1) -> (0)>
module attributes {stable_mosaic.version = 14 : i64} {
  func.func @k(%arg0: i32, %arg1: i32, %arg2: memref<10000x128xf32, #tpu.memory_space<hbm>>, %arg3: memref<320000xi32, #tpu.memory_space<hbm>>, %arg4: memref<320000x128xf32, #tpu.memory_space<hbm>>, %arg5: memref<80xi32, #tpu.memory_space<vmem>>, %arg6: memref<80x128xf32, #tpu.memory_space<vmem>>, %arg7: memref<!tpu.dma_semaphore, #tpu.memory_space<semaphore_mem>>) attributes {dimension_semantics = [#tpu.dimension_semantics<core_parallel>, #tpu.dimension_semantics<subcore_parallel>], iteration_bounds = array<i64: 2, 16>, scalar_prefetch = 0 : i64, scratch_operands = 3 : i64, tpu.core_type = #tpu.core_type<sc_vector_subcore>, window_params = [{transform_indices = #map}, {transform_indices = #map1}, {transform_indices = #map}]} {
    %mul3A = arith.constant 2 : i32
    %mul3A_0 = arith.muli %arg1, %mul3A : i32
    %add3A = arith.addi %mul3A_0, %arg0 : i32
    %mul3A_1 = arith.constant 10000 : i32
    %mul3A_2 = arith.muli %add3A, %mul3A_1 : i32
    %scan3A = arith.constant 0 : i32
    %scan3A_3 = arith.constant 0 : i32
    %scan3A_4 = arith.constant 125 : i32
    %scan3A_5 = arith.addi %scan3A_3, %scan3A_4 : i32
    %scan3A_6 = arith.constant 1 : i32
    scf.for %scan3A_8 = %scan3A_3 to %scan3A_5 step %scan3A_6  : i32 {
      %mul3A_9 = arith.constant 80 : i32
      %mul3A_10 = arith.muli %scan3A_8, %mul3A_9 : i32
      %add3A_11 = arith.addi %mul3A_2, %mul3A_10 : i32
      %multiple_of3A = tpu.assume_multiple %add3A_11, 8 : i32
      "tpu.region"() ({
        %run_scoped3A = tpu.sem_alloc : memref<!tpu.dma_semaphore, #tpu.memory_space<semaphore_mem>>
        %dma_start3A_16 = tpu.memref_slice %arg3[%multiple_of3A] : memref<320000xi32, #tpu.memory_space<hbm>> -> memref<80xi32, #tpu.memory_space<hbm>>
        %dma_start3A_17 = tpu.memref_slice %arg3[%multiple_of3A] : memref<320000xi32, #tpu.memory_space<hbm>> -> memref<80xi32, #tpu.memory_space<hbm>>
        tpu.enqueue_dma source(%dma_start3A_17 : memref<80xi32, #tpu.memory_space<hbm>>) target(%arg5 : memref<80xi32, #tpu.memory_space<vmem>>) target_semaphore(%run_scoped3A : memref<!tpu.dma_semaphore, #tpu.memory_space<semaphore_mem>>)
        %dma_wait3A_18 = tpu.memref_slice %arg3[%multiple_of3A] : memref<320000xi32, #tpu.memory_space<hbm>> -> memref<80xi32, #tpu.memory_space<hbm>>
        %dma_wait3A_19 = tpu.memref_slice %arg3[%multiple_of3A] : memref<320000xi32, #tpu.memory_space<hbm>> -> memref<80xi32, #tpu.memory_space<hbm>>
        tpu.wait_dma2 semaphore(%run_scoped3A : memref<!tpu.dma_semaphore, #tpu.memory_space<semaphore_mem>>) src(%dma_wait3A_19 : memref<80xi32, #tpu.memory_space<hbm>>) dst(%arg5 : memref<80xi32, #tpu.memory_space<vmem>>)
        tpu.yield
      }) : () -> ()
      %dma_start3A = arith.constant 0 : i32
      %dma_start3A_12 = arith.constant 0 : i32
      %dma_start3A_13 = tpu.memref_slice %arg2[%dma_start3A, %dma_start3A_12] : memref<10000x128xf32, #tpu.memory_space<hbm>> -> memref<10000x128xf32, #tpu.memory_space<hbm>>
      tpu.enqueue_indirect_dma source(%dma_start3A_13 : memref<10000x128xf32, #tpu.memory_space<hbm>>) target(%arg6 : memref<80x128xf32, #tpu.memory_space<vmem>>) offsets(%arg5 : memref<80xi32, #tpu.memory_space<vmem>>) semaphore(%arg7 : memref<!tpu.dma_semaphore, #tpu.memory_space<semaphore_mem>>)
      %dma_wait3A = arith.constant 0 : i32
      %dma_wait3A_14 = arith.constant 0 : i32
      %dma_wait3A_15 = tpu.memref_slice %arg2[%dma_wait3A, %dma_wait3A_14] : memref<10000x128xf32, #tpu.memory_space<hbm>> -> memref<10000x128xf32, #tpu.memory_space<hbm>>
      tpu.wait_indirect_dma semaphore(%arg7 : memref<!tpu.dma_semaphore, #tpu.memory_space<semaphore_mem>>) src(%dma_wait3A_15 : memref<10000x128xf32, #tpu.memory_space<hbm>>) dst(%arg6 : memref<80x128xf32, #tpu.memory_space<vmem>>)
      "tpu.region"() ({
        %run_scoped3A = tpu.sem_alloc : memref<!tpu.dma_semaphore, #tpu.memory_space<semaphore_mem>>
        %dma_start3A_16 = arith.constant 0 : i32
        %dma_start3A_17 = tpu.memref_slice %arg4[%multiple_of3A, %dma_start3A_16] : memref<320000x128xf32, #tpu.memory_space<hbm>> -> memref<80x128xf32, #tpu.memory_space<hbm>>
        %dma_start3A_18 = arith.constant 0 : i32
        %dma_start3A_19 = tpu.memref_slice %arg4[%multiple_of3A, %dma_start3A_18] : memref<320000x128xf32, #tpu.memory_space<hbm>> -> memref<80x128xf32, #tpu.memory_space<hbm>>
        tpu.enqueue_dma source(%arg6 : memref<80x128xf32, #tpu.memory_space<vmem>>) target(%dma_start3A_19 : memref<80x128xf32, #tpu.memory_space<hbm>>) target_semaphore(%run_scoped3A : memref<!tpu.dma_semaphore, #tpu.memory_space<semaphore_mem>>)
        %dma_wait3A_20 = arith.constant 0 : i32
        %dma_wait3A_21 = tpu.memref_slice %arg4[%multiple_of3A, %dma_wait3A_20] : memref<320000x128xf32, #tpu.memory_space<hbm>> -> memref<80x128xf32, #tpu.memory_space<hbm>>
        %dma_wait3A_22 = arith.constant 0 : i32
        %dma_wait3A_23 = tpu.memref_slice %arg4[%multiple_of3A, %dma_wait3A_22] : memref<320000x128xf32, #tpu.memory_space<hbm>> -> memref<80x128xf32, #tpu.memory_space<hbm>>
        tpu.wait_dma2 semaphore(%run_scoped3A : memref<!tpu.dma_semaphore, #tpu.memory_space<semaphore_mem>>) src(%arg6 : memref<80x128xf32, #tpu.memory_space<vmem>>) dst(%dma_wait3A_23 : memref<80x128xf32, #tpu.memory_space<hbm>>)
        tpu.yield
      }) : () -> ()
    }
    %scan3A_7 = arith.constant 125 : i32
    return
  }
}

#map = affine_map<(d0, d1) -> (0, 0)>
#map1 = affine_map<(d0, d1) -> (0)>
module attributes {stable_mosaic.version = 14 : i64} {
  func.func @k(%arg0: i32, %arg1: i32, %arg2: memref<10000x128xf32, #tpu.memory_space<hbm>>, %arg3: memref<320000xi32, #tpu.memory_space<hbm>>, %arg4: memref<320000x128xf32, #tpu.memory_space<hbm>>, %arg5: memref<80xi32, #tpu.memory_space<vmem>>, %arg6: memref<80x128xf32, #tpu.memory_space<vmem>>, %arg7: memref<!tpu.dma_semaphore, #tpu.memory_space<semaphore_mem>>) attributes {dimension_semantics = [#tpu.dimension_semantics<core_parallel>, #tpu.dimension_semantics<subcore_parallel>], iteration_bounds = array<i64: 2, 16>, scalar_prefetch = 0 : i64, scratch_operands = 3 : i64, tpu.core_type = #tpu.core_type<sc_vector_subcore>, window_params = [{transform_indices = #map}, {transform_indices = #map1}, {transform_indices = #map}]} {
    %mul3A = arith.constant 2 : i32
    %mul3A_0 = arith.muli %arg1, %mul3A : i32
    %add3A = arith.addi %mul3A_0, %arg0 : i32
    %mul3A_1 = arith.constant 10000 : i32
    %mul3A_2 = arith.muli %add3A, %mul3A_1 : i32
    %scan3A = arith.constant 0 : i32
    %scan3A_3 = arith.constant 0 : i32
    %scan3A_4 = arith.constant 125 : i32
    %scan3A_5 = arith.addi %scan3A_3, %scan3A_4 : i32
    %scan3A_6 = arith.constant 1 : i32
    scf.for %scan3A_8 = %scan3A_3 to %scan3A_5 step %scan3A_6  : i32 {
      %mul3A_9 = arith.constant 80 : i32
      %mul3A_10 = arith.muli %scan3A_8, %mul3A_9 : i32
      %add3A_11 = arith.addi %mul3A_2, %mul3A_10 : i32
      %multiple_of3A = tpu.assume_multiple %add3A_11, 8 : i32
      "tpu.region"() ({
        %run_scoped3A = tpu.sem_alloc : memref<!tpu.dma_semaphore, #tpu.memory_space<semaphore_mem>>
        %dma_start3A_16 = tpu.memref_slice %arg3[%multiple_of3A] : memref<320000xi32, #tpu.memory_space<hbm>> -> memref<80xi32, #tpu.memory_space<hbm>>
        %dma_start3A_17 = tpu.memref_slice %arg3[%multiple_of3A] : memref<320000xi32, #tpu.memory_space<hbm>> -> memref<80xi32, #tpu.memory_space<hbm>>
        tpu.enqueue_dma source(%dma_start3A_17 : memref<80xi32, #tpu.memory_space<hbm>>) target(%arg5 : memref<80xi32, #tpu.memory_space<vmem>>) target_semaphore(%run_scoped3A : memref<!tpu.dma_semaphore, #tpu.memory_space<semaphore_mem>>)
        %dma_wait3A_18 = tpu.memref_slice %arg3[%multiple_of3A] : memref<320000xi32, #tpu.memory_space<hbm>> -> memref<80xi32, #tpu.memory_space<hbm>>
        %dma_wait3A_19 = tpu.memref_slice %arg3[%multiple_of3A] : memref<320000xi32, #tpu.memory_space<hbm>> -> memref<80xi32, #tpu.memory_space<hbm>>
        tpu.wait_dma2 semaphore(%run_scoped3A : memref<!tpu.dma_semaphore, #tpu.memory_space<semaphore_mem>>) src(%dma_wait3A_19 : memref<80xi32, #tpu.memory_space<hbm>>) dst(%arg5 : memref<80xi32, #tpu.memory_space<vmem>>)
        tpu.yield
      }) : () -> ()
      %dma_start3A = arith.constant 0 : i32
      %dma_start3A_12 = arith.constant 0 : i32
      %dma_start3A_13 = tpu.memref_slice %arg2[%dma_start3A, %dma_start3A_12] : memref<10000x128xf32, #tpu.memory_space<hbm>> -> memref<10000x128xf32, #tpu.memory_space<hbm>>
      tpu.enqueue_indirect_dma source(%dma_start3A_13 : memref<10000x128xf32, #tpu.memory_space<hbm>>) target(%arg6 : memref<80x128xf32, #tpu.memory_space<vmem>>) offsets(%arg5 : memref<80xi32, #tpu.memory_space<vmem>>) semaphore(%arg7 : memref<!tpu.dma_semaphore, #tpu.memory_space<semaphore_mem>>)
      %dma_wait3A = arith.constant 0 : i32
      %dma_wait3A_14 = arith.constant 0 : i32
      %dma_wait3A_15 = tpu.memref_slice %arg2[%dma_wait3A, %dma_wait3A_14] : memref<10000x128xf32, #tpu.memory_space<hbm>> -> memref<10000x128xf32, #tpu.memory_space<hbm>>
      tpu.wait_indirect_dma semaphore(%arg7 : memref<!tpu.dma_semaphore, #tpu.memory_space<semaphore_mem>>) src(%dma_wait3A_15 : memref<10000x128xf32, #tpu.memory_space<hbm>>) dst(%arg6 : memref<80x128xf32, #tpu.memory_space<vmem>>)
      "tpu.region"() ({
        %run_scoped3A = tpu.sem_alloc : memref<!tpu.dma_semaphore, #tpu.memory_space<semaphore_mem>>
        %dma_start3A_16 = arith.constant 0 : i32
        %dma_start3A_17 = tpu.memref_slice %arg4[%multiple_of3A, %dma_start3A_16] : memref<320000x128xf32, #tpu.memory_space<hbm>> -> memref<80x128xf32, #tpu.memory_space<hbm>>
        %dma_start3A_18 = arith.constant 0 : i32
        %dma_start3A_19 = tpu.memref_slice %arg4[%multiple_of3A, %dma_start3A_18] : memref<320000x128xf32, #tpu.memory_space<hbm>> -> memref<80x128xf32, #tpu.memory_space<hbm>>
        tpu.enqueue_dma source(%arg6 : memref<80x128xf32, #tpu.memory_space<vmem>>) target(%dma_start3A_19 : memref<80x128xf32, #tpu.memory_space<hbm>>) target_semaphore(%run_scoped3A : memref<!tpu.dma_semaphore, #tpu.memory_space<semaphore_mem>>)
        %dma_wait3A_20 = arith.constant 0 : i32
        %dma_wait3A_21 = tpu.memref_slice %arg4[%multiple_of3A, %dma_wait3A_20] : memref<320000x128xf32, #tpu.memory_space<hbm>> -> memref<80x128xf32, #tpu.memory_space<hbm>>
        %dma_wait3A_22 = arith.constant 0 : i32
        %dma_wait3A_23 = tpu.memref_slice %arg4[%multiple_of3A, %dma_wait3A_22] : memref<320000x128xf32, #tpu.memory_space<hbm>> -> memref<80x128xf32, #tpu.memory_space<hbm>>
        tpu.wait_dma2 semaphore(%run_scoped3A : memref<!tpu.dma_semaphore, #tpu.memory_space<semaphore_mem>>) src(%arg6 : memref<80x128xf32, #tpu.memory_space<vmem>>) dst(%dma_wait3A_23 : memref<80x128xf32, #tpu.memory_space<hbm>>)
        tpu.yield
      }) : () -> ()
    }
    %scan3A_7 = arith.constant 125 : i32
    return
  }
}

#map = affine_map<(d0, d1) -> (0, 0)>
#map1 = affine_map<(d0, d1) -> (0)>
module attributes {stable_mosaic.version = 14 : i64} {
  func.func @k(%arg0: i32, %arg1: i32, %arg2: memref<320000x128xf32, #tpu.memory_space<hbm>>, %arg3: memref<320000xi32, #tpu.memory_space<hbm>>, %arg4: memref<10000x128xf32, #tpu.memory_space<hbm>>, %arg5: memref<10000x128xf32, #tpu.memory_space<hbm>>, %arg6: memref<10000x128xf32, #tpu.memory_space<hbm>>, %arg7: memref<80xi32, #tpu.memory_space<vmem>>, %arg8: memref<80x128xf32, #tpu.memory_space<vmem>>, %arg9: memref<10000x128xf32, #tpu.memory_space<vmem_shared>>) attributes {dimension_semantics = [#tpu.dimension_semantics<core_parallel>, #tpu.dimension_semantics<subcore_parallel>], iteration_bounds = array<i64: 2, 16>, scalar_prefetch = 0 : i64, scratch_operands = 3 : i64, tpu.core_type = #tpu.core_type<sc_vector_subcore>, window_params = [{transform_indices = #map}, {transform_indices = #map1}, {transform_indices = #map}, {transform_indices = #map}, {transform_indices = #map}]} {
    %mul3A = arith.constant 2 : i32
    %mul3A_0 = arith.muli %arg1, %mul3A : i32
    %add3A = arith.addi %mul3A_0, %arg0 : i32
    %mul3A_1 = arith.constant 10000 : i32
    %mul3A_2 = arith.muli %add3A, %mul3A_1 : i32
    %eq3A = arith.constant 0 : i32
    %eq3A_3 = arith.cmpi eq, %arg1, %eq3A : i32
    %convert_element_type3A = arith.extui %eq3A_3 : i1 to i32
    %cond3A = arith.constant 0 : i32
    %cond3A_4 = arith.cmpi ne, %convert_element_type3A, %cond3A : i32
    scf.if %cond3A_4 {
      "tpu.region"() ({
        %run_scoped3A = tpu.sem_alloc : memref<!tpu.dma_semaphore, #tpu.memory_space<semaphore_mem>>
        tpu.enqueue_dma source(%arg4 : memref<10000x128xf32, #tpu.memory_space<hbm>>) target(%arg9 : memref<10000x128xf32, #tpu.memory_space<vmem_shared>>) target_semaphore(%run_scoped3A : memref<!tpu.dma_semaphore, #tpu.memory_space<semaphore_mem>>)
        tpu.wait_dma2 semaphore(%run_scoped3A : memref<!tpu.dma_semaphore, #tpu.memory_space<semaphore_mem>>) src(%arg4 : memref<10000x128xf32, #tpu.memory_space<hbm>>) dst(%arg9 : memref<10000x128xf32, #tpu.memory_space<vmem_shared>>)
        tpu.yield
      }) : () -> ()
    } else {
    }
    %barrier3A = arith.constant 0 : index
    tpu.barrier barrier_id(%barrier3A)
    %scan3A = arith.constant 0 : i32
    %scan3A_5 = arith.constant 0 : i32
    %scan3A_6 = arith.constant 125 : i32
    %scan3A_7 = arith.addi %scan3A_5, %scan3A_6 : i32
    %scan3A_8 = arith.constant 1 : i32
    scf.for %scan3A_15 = %scan3A_5 to %scan3A_7 step %scan3A_8  : i32 {
      %mul3A_16 = arith.constant 80 : i32
      %mul3A_17 = arith.muli %scan3A_15, %mul3A_16 : i32
      %add3A_18 = arith.addi %mul3A_2, %mul3A_17 : i32
      %multiple_of3A = tpu.assume_multiple %add3A_18, 8 : i32
      "tpu.region"() ({
        %run_scoped3A = tpu.sem_alloc : memref<!tpu.dma_semaphore, #tpu.memory_space<semaphore_mem>>
        %dma_start3A = tpu.memref_slice %arg3[%multiple_of3A] : memref<320000xi32, #tpu.memory_space<hbm>> -> memref<80xi32, #tpu.memory_space<hbm>>
        %dma_start3A_19 = tpu.memref_slice %arg3[%multiple_of3A] : memref<320000xi32, #tpu.memory_space<hbm>> -> memref<80xi32, #tpu.memory_space<hbm>>
        tpu.enqueue_dma source(%dma_start3A_19 : memref<80xi32, #tpu.memory_space<hbm>>) target(%arg7 : memref<80xi32, #tpu.memory_space<vmem>>) target_semaphore(%run_scoped3A : memref<!tpu.dma_semaphore, #tpu.memory_space<semaphore_mem>>)
        %dma_wait3A = tpu.memref_slice %arg3[%multiple_of3A] : memref<320000xi32, #tpu.memory_space<hbm>> -> memref<80xi32, #tpu.memory_space<hbm>>
        %dma_wait3A_20 = tpu.memref_slice %arg3[%multiple_of3A] : memref<320000xi32, #tpu.memory_space<hbm>> -> memref<80xi32, #tpu.memory_space<hbm>>
        tpu.wait_dma2 semaphore(%run_scoped3A : memref<!tpu.dma_semaphore, #tpu.memory_space<semaphore_mem>>) src(%dma_wait3A_20 : memref<80xi32, #tpu.memory_space<hbm>>) dst(%arg7 : memref<80xi32, #tpu.memory_space<vmem>>)
        tpu.yield
      }) : () -> ()
      "tpu.region"() ({
        %run_scoped3A = tpu.sem_alloc : memref<!tpu.dma_semaphore, #tpu.memory_space<semaphore_mem>>
        %dma_start3A = arith.constant 0 : i32
        %dma_start3A_19 = tpu.memref_slice %arg2[%multiple_of3A, %dma_start3A] : memref<320000x128xf32, #tpu.memory_space<hbm>> -> memref<80x128xf32, #tpu.memory_space<hbm>>
        %dma_start3A_20 = arith.constant 0 : i32
        %dma_start3A_21 = tpu.memref_slice %arg2[%multiple_of3A, %dma_start3A_20] : memref<320000x128xf32, #tpu.memory_space<hbm>> -> memref<80x128xf32, #tpu.memory_space<hbm>>
        tpu.enqueue_dma source(%dma_start3A_21 : memref<80x128xf32, #tpu.memory_space<hbm>>) target(%arg8 : memref<80x128xf32, #tpu.memory_space<vmem>>) target_semaphore(%run_scoped3A : memref<!tpu.dma_semaphore, #tpu.memory_space<semaphore_mem>>)
        %dma_wait3A = arith.constant 0 : i32
        %dma_wait3A_22 = tpu.memref_slice %arg2[%multiple_of3A, %dma_wait3A] : memref<320000x128xf32, #tpu.memory_space<hbm>> -> memref<80x128xf32, #tpu.memory_space<hbm>>
        %dma_wait3A_23 = arith.constant 0 : i32
        %dma_wait3A_24 = tpu.memref_slice %arg2[%multiple_of3A, %dma_wait3A_23] : memref<320000x128xf32, #tpu.memory_space<hbm>> -> memref<80x128xf32, #tpu.memory_space<hbm>>
        tpu.wait_dma2 semaphore(%run_scoped3A : memref<!tpu.dma_semaphore, #tpu.memory_space<semaphore_mem>>) src(%dma_wait3A_24 : memref<80x128xf32, #tpu.memory_space<hbm>>) dst(%arg8 : memref<80x128xf32, #tpu.memory_space<vmem>>)
        tpu.yield
      }) : () -> ()
      "tpu.region"() ({
        %run_scoped3A = tpu.sem_alloc : memref<!tpu.dma_semaphore, #tpu.memory_space<semaphore_mem>>
        %dma_start3A = arith.constant 0 : i32
        %dma_start3A_19 = arith.constant 0 : i32
        %dma_start3A_20 = tpu.memref_slice %arg9[%dma_start3A, %dma_start3A_19] : memref<10000x128xf32, #tpu.memory_space<vmem_shared>> -> memref<10000x128xf32, #tpu.memory_space<vmem_shared>>
        tpu.enqueue_indirect_dma source(%arg8 : memref<80x128xf32, #tpu.memory_space<vmem>>) target(%dma_start3A_20 : memref<10000x128xf32, #tpu.memory_space<vmem_shared>>) offsets(%arg7 : memref<80xi32, #tpu.memory_space<vmem>>) semaphore(%run_scoped3A : memref<!tpu.dma_semaphore, #tpu.memory_space<semaphore_mem>>) {add = true}
        %dma_wait3A = arith.constant 0 : i32
        %dma_wait3A_21 = arith.constant 0 : i32
        %dma_wait3A_22 = tpu.memref_slice %arg9[%dma_wait3A, %dma_wait3A_21] : memref<10000x128xf32, #tpu.memory_space<vmem_shared>> -> memref<10000x128xf32, #tpu.memory_space<vmem_shared>>
        tpu.wait_indirect_dma semaphore(%run_scoped3A : memref<!tpu.dma_semaphore, #tpu.memory_space<semaphore_mem>>) src(%arg8 : memref<80x128xf32, #tpu.memory_space<vmem>>) dst(%dma_wait3A_22 : memref<10000x128xf32, #tpu.memory_space<vmem_shared>>)
        tpu.yield
      }) : () -> ()
    }
    %scan3A_9 = arith.constant 125 : i32
    %barrier3A_10 = arith.constant 0 : index
    tpu.barrier barrier_id(%barrier3A_10)
    %lt3A = arith.constant 10 : i32
    %lt3A_11 = arith.cmpi slt, %arg1, %lt3A : i32
    %convert_element_type3A_12 = arith.extui %lt3A_11 : i1 to i32
    %cond3A_13 = arith.constant 0 : i32
    %cond3A_14 = arith.cmpi ne, %convert_element_type3A_12, %cond3A_13 : i32
    scf.if %cond3A_14 {
      %mul3A_15 = arith.constant 1000 : i32
      %mul3A_16 = arith.muli %arg1, %mul3A_15 : i32
      %multiple_of3A = tpu.assume_multiple %mul3A_16, 8 : i32
      %eq3A_17 = arith.constant 0 : i32
      %eq3A_18 = arith.cmpi eq, %arg0, %eq3A_17 : i32
      %convert_element_type3A_19 = arith.extui %eq3A_18 : i1 to i32
      %cond3A_20 = arith.constant 0 : i32
      %cond3A_21 = arith.cmpi ne, %convert_element_type3A_19, %cond3A_20 : i32
      scf.if %cond3A_21 {
        "tpu.region"() ({
          %run_scoped3A = tpu.sem_alloc : memref<!tpu.dma_semaphore, #tpu.memory_space<semaphore_mem>>
          %dma_start3A = arith.constant 0 : i32
          %dma_start3A_27 = tpu.memref_slice %arg5[%multiple_of3A, %dma_start3A] : memref<10000x128xf32, #tpu.memory_space<hbm>> -> memref<1000x128xf32, #tpu.memory_space<hbm>>
          %dma_start3A_28 = arith.constant 0 : i32
          %dma_start3A_29 = tpu.memref_slice %arg9[%multiple_of3A, %dma_start3A_28] : memref<10000x128xf32, #tpu.memory_space<vmem_shared>> -> memref<1000x128xf32, #tpu.memory_space<vmem_shared>>
          tpu.enqueue_dma source(%dma_start3A_29 : memref<1000x128xf32, #tpu.memory_space<vmem_shared>>) target(%dma_start3A_27 : memref<1000x128xf32, #tpu.memory_space<hbm>>) target_semaphore(%run_scoped3A : memref<!tpu.dma_semaphore, #tpu.memory_space<semaphore_mem>>)
          %dma_wait3A = arith.constant 0 : i32
          %dma_wait3A_30 = tpu.memref_slice %arg5[%multiple_of3A, %dma_wait3A] : memref<10000x128xf32, #tpu.memory_space<hbm>> -> memref<1000x128xf32, #tpu.memory_space<hbm>>
          %dma_wait3A_31 = arith.constant 0 : i32
          %dma_wait3A_32 = tpu.memref_slice %arg9[%multiple_of3A, %dma_wait3A_31] : memref<10000x128xf32, #tpu.memory_space<vmem_shared>> -> memref<1000x128xf32, #tpu.memory_space<vmem_shared>>
          tpu.wait_dma2 semaphore(%run_scoped3A : memref<!tpu.dma_semaphore, #tpu.memory_space<semaphore_mem>>) src(%dma_wait3A_32 : memref<1000x128xf32, #tpu.memory_space<vmem_shared>>) dst(%dma_wait3A_30 : memref<1000x128xf32, #tpu.memory_space<hbm>>)
          tpu.yield
        }) : () -> ()
      } else {
      }
      %eq3A_22 = arith.constant 1 : i32
      %eq3A_23 = arith.cmpi eq, %arg0, %eq3A_22 : i32
      %convert_element_type3A_24 = arith.extui %eq3A_23 : i1 to i32
      %cond3A_25 = arith.constant 0 : i32
      %cond3A_26 = arith.cmpi ne, %convert_element_type3A_24, %cond3A_25 : i32
      scf.if %cond3A_26 {
        "tpu.region"() ({
          %run_scoped3A = tpu.sem_alloc : memref<!tpu.dma_semaphore, #tpu.memory_space<semaphore_mem>>
          %dma_start3A = arith.constant 0 : i32
          %dma_start3A_27 = tpu.memref_slice %arg6[%multiple_of3A, %dma_start3A] : memref<10000x128xf32, #tpu.memory_space<hbm>> -> memref<1000x128xf32, #tpu.memory_space<hbm>>
          %dma_start3A_28 = arith.constant 0 : i32
          %dma_start3A_29 = tpu.memref_slice %arg9[%multiple_of3A, %dma_start3A_28] : memref<10000x128xf32, #tpu.memory_space<vmem_shared>> -> memref<1000x128xf32, #tpu.memory_space<vmem_shared>>
          tpu.enqueue_dma source(%dma_start3A_29 : memref<1000x128xf32, #tpu.memory_space<vmem_shared>>) target(%dma_start3A_27 : memref<1000x128xf32, #tpu.memory_space<hbm>>) target_semaphore(%run_scoped3A : memref<!tpu.dma_semaphore, #tpu.memory_space<semaphore_mem>>)
          %dma_wait3A = arith.constant 0 : i32
          %dma_wait3A_30 = tpu.memref_slice %arg6[%multiple_of3A, %dma_wait3A] : memref<10000x128xf32, #tpu.memory_space<hbm>> -> memref<1000x128xf32, #tpu.memory_space<hbm>>
          %dma_wait3A_31 = arith.constant 0 : i32
          %dma_wait3A_32 = tpu.memref_slice %arg9[%multiple_of3A, %dma_wait3A_31] : memref<10000x128xf32, #tpu.memory_space<vmem_shared>> -> memref<1000x128xf32, #tpu.memory_space<vmem_shared>>
          tpu.wait_dma2 semaphore(%run_scoped3A : memref<!tpu.dma_semaphore, #tpu.memory_space<semaphore_mem>>) src(%dma_wait3A_32 : memref<1000x128xf32, #tpu.memory_space<vmem_shared>>) dst(%dma_wait3A_30 : memref<1000x128xf32, #tpu.memory_space<hbm>>)
          tpu.yield
        }) : () -> ()
      } else {
      }
    } else {
    }
    return
  }
}

#map = affine_map<(d0, d1) -> (0, 0)>
#map1 = affine_map<(d0, d1) -> (0)>
module attributes {stable_mosaic.version = 14 : i64} {
  func.func @k(%arg0: i32, %arg1: i32, %arg2: memref<320000x128xf32, #tpu.memory_space<hbm>>, %arg3: memref<320000xi32, #tpu.memory_space<hbm>>, %arg4: memref<10000x128xf32, #tpu.memory_space<hbm>>, %arg5: memref<10000x128xf32, #tpu.memory_space<hbm>>, %arg6: memref<10000x128xf32, #tpu.memory_space<hbm>>, %arg7: memref<80xi32, #tpu.memory_space<vmem>>, %arg8: memref<80x128xf32, #tpu.memory_space<vmem>>, %arg9: memref<10000x128xf32, #tpu.memory_space<vmem_shared>>) attributes {dimension_semantics = [#tpu.dimension_semantics<core_parallel>, #tpu.dimension_semantics<subcore_parallel>], iteration_bounds = array<i64: 2, 16>, scalar_prefetch = 0 : i64, scratch_operands = 3 : i64, tpu.core_type = #tpu.core_type<sc_vector_subcore>, window_params = [{transform_indices = #map}, {transform_indices = #map1}, {transform_indices = #map}, {transform_indices = #map}, {transform_indices = #map}]} {
    %mul3A = arith.constant 2 : i32
    %mul3A_0 = arith.muli %arg1, %mul3A : i32
    %add3A = arith.addi %mul3A_0, %arg0 : i32
    %mul3A_1 = arith.constant 10000 : i32
    %mul3A_2 = arith.muli %add3A, %mul3A_1 : i32
    %eq3A = arith.constant 0 : i32
    %eq3A_3 = arith.cmpi eq, %arg1, %eq3A : i32
    %convert_element_type3A = arith.extui %eq3A_3 : i1 to i32
    %cond3A = arith.constant 0 : i32
    %cond3A_4 = arith.cmpi ne, %convert_element_type3A, %cond3A : i32
    scf.if %cond3A_4 {
      "tpu.region"() ({
        %run_scoped3A = tpu.sem_alloc : memref<!tpu.dma_semaphore, #tpu.memory_space<semaphore_mem>>
        tpu.enqueue_dma source(%arg4 : memref<10000x128xf32, #tpu.memory_space<hbm>>) target(%arg9 : memref<10000x128xf32, #tpu.memory_space<vmem_shared>>) target_semaphore(%run_scoped3A : memref<!tpu.dma_semaphore, #tpu.memory_space<semaphore_mem>>)
        tpu.wait_dma2 semaphore(%run_scoped3A : memref<!tpu.dma_semaphore, #tpu.memory_space<semaphore_mem>>) src(%arg4 : memref<10000x128xf32, #tpu.memory_space<hbm>>) dst(%arg9 : memref<10000x128xf32, #tpu.memory_space<vmem_shared>>)
        tpu.yield
      }) : () -> ()
    } else {
    }
    %barrier3A = arith.constant 0 : index
    tpu.barrier barrier_id(%barrier3A)
    %scan3A = arith.constant 0 : i32
    %scan3A_5 = arith.constant 0 : i32
    %scan3A_6 = arith.constant 125 : i32
    %scan3A_7 = arith.addi %scan3A_5, %scan3A_6 : i32
    %scan3A_8 = arith.constant 1 : i32
    scf.for %scan3A_15 = %scan3A_5 to %scan3A_7 step %scan3A_8  : i32 {
      %mul3A_16 = arith.constant 80 : i32
      %mul3A_17 = arith.muli %scan3A_15, %mul3A_16 : i32
      %add3A_18 = arith.addi %mul3A_2, %mul3A_17 : i32
      %multiple_of3A = tpu.assume_multiple %add3A_18, 8 : i32
      "tpu.region"() ({
        %run_scoped3A = tpu.sem_alloc : memref<!tpu.dma_semaphore, #tpu.memory_space<semaphore_mem>>
        %dma_start3A = tpu.memref_slice %arg3[%multiple_of3A] : memref<320000xi32, #tpu.memory_space<hbm>> -> memref<80xi32, #tpu.memory_space<hbm>>
        %dma_start3A_19 = tpu.memref_slice %arg3[%multiple_of3A] : memref<320000xi32, #tpu.memory_space<hbm>> -> memref<80xi32, #tpu.memory_space<hbm>>
        tpu.enqueue_dma source(%dma_start3A_19 : memref<80xi32, #tpu.memory_space<hbm>>) target(%arg7 : memref<80xi32, #tpu.memory_space<vmem>>) target_semaphore(%run_scoped3A : memref<!tpu.dma_semaphore, #tpu.memory_space<semaphore_mem>>)
        %dma_wait3A = tpu.memref_slice %arg3[%multiple_of3A] : memref<320000xi32, #tpu.memory_space<hbm>> -> memref<80xi32, #tpu.memory_space<hbm>>
        %dma_wait3A_20 = tpu.memref_slice %arg3[%multiple_of3A] : memref<320000xi32, #tpu.memory_space<hbm>> -> memref<80xi32, #tpu.memory_space<hbm>>
        tpu.wait_dma2 semaphore(%run_scoped3A : memref<!tpu.dma_semaphore, #tpu.memory_space<semaphore_mem>>) src(%dma_wait3A_20 : memref<80xi32, #tpu.memory_space<hbm>>) dst(%arg7 : memref<80xi32, #tpu.memory_space<vmem>>)
        tpu.yield
      }) : () -> ()
      "tpu.region"() ({
        %run_scoped3A = tpu.sem_alloc : memref<!tpu.dma_semaphore, #tpu.memory_space<semaphore_mem>>
        %dma_start3A = arith.constant 0 : i32
        %dma_start3A_19 = tpu.memref_slice %arg2[%multiple_of3A, %dma_start3A] : memref<320000x128xf32, #tpu.memory_space<hbm>> -> memref<80x128xf32, #tpu.memory_space<hbm>>
        %dma_start3A_20 = arith.constant 0 : i32
        %dma_start3A_21 = tpu.memref_slice %arg2[%multiple_of3A, %dma_start3A_20] : memref<320000x128xf32, #tpu.memory_space<hbm>> -> memref<80x128xf32, #tpu.memory_space<hbm>>
        tpu.enqueue_dma source(%dma_start3A_21 : memref<80x128xf32, #tpu.memory_space<hbm>>) target(%arg8 : memref<80x128xf32, #tpu.memory_space<vmem>>) target_semaphore(%run_scoped3A : memref<!tpu.dma_semaphore, #tpu.memory_space<semaphore_mem>>)
        %dma_wait3A = arith.constant 0 : i32
        %dma_wait3A_22 = tpu.memref_slice %arg2[%multiple_of3A, %dma_wait3A] : memref<320000x128xf32, #tpu.memory_space<hbm>> -> memref<80x128xf32, #tpu.memory_space<hbm>>
        %dma_wait3A_23 = arith.constant 0 : i32
        %dma_wait3A_24 = tpu.memref_slice %arg2[%multiple_of3A, %dma_wait3A_23] : memref<320000x128xf32, #tpu.memory_space<hbm>> -> memref<80x128xf32, #tpu.memory_space<hbm>>
        tpu.wait_dma2 semaphore(%run_scoped3A : memref<!tpu.dma_semaphore, #tpu.memory_space<semaphore_mem>>) src(%dma_wait3A_24 : memref<80x128xf32, #tpu.memory_space<hbm>>) dst(%arg8 : memref<80x128xf32, #tpu.memory_space<vmem>>)
        tpu.yield
      }) : () -> ()
      "tpu.region"() ({
        %run_scoped3A = tpu.sem_alloc : memref<!tpu.dma_semaphore, #tpu.memory_space<semaphore_mem>>
        %dma_start3A = arith.constant 0 : i32
        %dma_start3A_19 = arith.constant 0 : i32
        %dma_start3A_20 = tpu.memref_slice %arg9[%dma_start3A, %dma_start3A_19] : memref<10000x128xf32, #tpu.memory_space<vmem_shared>> -> memref<10000x128xf32, #tpu.memory_space<vmem_shared>>
        tpu.enqueue_indirect_dma source(%arg8 : memref<80x128xf32, #tpu.memory_space<vmem>>) target(%dma_start3A_20 : memref<10000x128xf32, #tpu.memory_space<vmem_shared>>) offsets(%arg7 : memref<80xi32, #tpu.memory_space<vmem>>) semaphore(%run_scoped3A : memref<!tpu.dma_semaphore, #tpu.memory_space<semaphore_mem>>) {add = true}
        %dma_wait3A = arith.constant 0 : i32
        %dma_wait3A_21 = arith.constant 0 : i32
        %dma_wait3A_22 = tpu.memref_slice %arg9[%dma_wait3A, %dma_wait3A_21] : memref<10000x128xf32, #tpu.memory_space<vmem_shared>> -> memref<10000x128xf32, #tpu.memory_space<vmem_shared>>
        tpu.wait_indirect_dma semaphore(%run_scoped3A : memref<!tpu.dma_semaphore, #tpu.memory_space<semaphore_mem>>) src(%arg8 : memref<80x128xf32, #tpu.memory_space<vmem>>) dst(%dma_wait3A_22 : memref<10000x128xf32, #tpu.memory_space<vmem_shared>>)
        tpu.yield
      }) : () -> ()
    }
    %scan3A_9 = arith.constant 125 : i32
    %barrier3A_10 = arith.constant 0 : index
    tpu.barrier barrier_id(%barrier3A_10)
    %lt3A = arith.constant 10 : i32
    %lt3A_11 = arith.cmpi slt, %arg1, %lt3A : i32
    %convert_element_type3A_12 = arith.extui %lt3A_11 : i1 to i32
    %cond3A_13 = arith.constant 0 : i32
    %cond3A_14 = arith.cmpi ne, %convert_element_type3A_12, %cond3A_13 : i32
    scf.if %cond3A_14 {
      %mul3A_15 = arith.constant 1000 : i32
      %mul3A_16 = arith.muli %arg1, %mul3A_15 : i32
      %multiple_of3A = tpu.assume_multiple %mul3A_16, 8 : i32
      %eq3A_17 = arith.constant 0 : i32
      %eq3A_18 = arith.cmpi eq, %arg0, %eq3A_17 : i32
      %convert_element_type3A_19 = arith.extui %eq3A_18 : i1 to i32
      %cond3A_20 = arith.constant 0 : i32
      %cond3A_21 = arith.cmpi ne, %convert_element_type3A_19, %cond3A_20 : i32
      scf.if %cond3A_21 {
        "tpu.region"() ({
          %run_scoped3A = tpu.sem_alloc : memref<!tpu.dma_semaphore, #tpu.memory_space<semaphore_mem>>
          %dma_start3A = arith.constant 0 : i32
          %dma_start3A_27 = tpu.memref_slice %arg5[%multiple_of3A, %dma_start3A] : memref<10000x128xf32, #tpu.memory_space<hbm>> -> memref<1000x128xf32, #tpu.memory_space<hbm>>
          %dma_start3A_28 = arith.constant 0 : i32
          %dma_start3A_29 = tpu.memref_slice %arg9[%multiple_of3A, %dma_start3A_28] : memref<10000x128xf32, #tpu.memory_space<vmem_shared>> -> memref<1000x128xf32, #tpu.memory_space<vmem_shared>>
          tpu.enqueue_dma source(%dma_start3A_29 : memref<1000x128xf32, #tpu.memory_space<vmem_shared>>) target(%dma_start3A_27 : memref<1000x128xf32, #tpu.memory_space<hbm>>) target_semaphore(%run_scoped3A : memref<!tpu.dma_semaphore, #tpu.memory_space<semaphore_mem>>)
          %dma_wait3A = arith.constant 0 : i32
          %dma_wait3A_30 = tpu.memref_slice %arg5[%multiple_of3A, %dma_wait3A] : memref<10000x128xf32, #tpu.memory_space<hbm>> -> memref<1000x128xf32, #tpu.memory_space<hbm>>
          %dma_wait3A_31 = arith.constant 0 : i32
          %dma_wait3A_32 = tpu.memref_slice %arg9[%multiple_of3A, %dma_wait3A_31] : memref<10000x128xf32, #tpu.memory_space<vmem_shared>> -> memref<1000x128xf32, #tpu.memory_space<vmem_shared>>
          tpu.wait_dma2 semaphore(%run_scoped3A : memref<!tpu.dma_semaphore, #tpu.memory_space<semaphore_mem>>) src(%dma_wait3A_32 : memref<1000x128xf32, #tpu.memory_space<vmem_shared>>) dst(%dma_wait3A_30 : memref<1000x128xf32, #tpu.memory_space<hbm>>)
          tpu.yield
        }) : () -> ()
      } else {
      }
      %eq3A_22 = arith.constant 1 : i32
      %eq3A_23 = arith.cmpi eq, %arg0, %eq3A_22 : i32
      %convert_element_type3A_24 = arith.extui %eq3A_23 : i1 to i32
      %cond3A_25 = arith.constant 0 : i32
      %cond3A_26 = arith.cmpi ne, %convert_element_type3A_24, %cond3A_25 : i32
      scf.if %cond3A_26 {
        "tpu.region"() ({
          %run_scoped3A = tpu.sem_alloc : memref<!tpu.dma_semaphore, #tpu.memory_space<semaphore_mem>>
          %dma_start3A = arith.constant 0 : i32
          %dma_start3A_27 = tpu.memref_slice %arg6[%multiple_of3A, %dma_start3A] : memref<10000x128xf32, #tpu.memory_space<hbm>> -> memref<1000x128xf32, #tpu.memory_space<hbm>>
          %dma_start3A_28 = arith.constant 0 : i32
          %dma_start3A_29 = tpu.memref_slice %arg9[%multiple_of3A, %dma_start3A_28] : memref<10000x128xf32, #tpu.memory_space<vmem_shared>> -> memref<1000x128xf32, #tpu.memory_space<vmem_shared>>
          tpu.enqueue_dma source(%dma_start3A_29 : memref<1000x128xf32, #tpu.memory_space<vmem_shared>>) target(%dma_start3A_27 : memref<1000x128xf32, #tpu.memory_space<hbm>>) target_semaphore(%run_scoped3A : memref<!tpu.dma_semaphore, #tpu.memory_space<semaphore_mem>>)
          %dma_wait3A = arith.constant 0 : i32
          %dma_wait3A_30 = tpu.memref_slice %arg6[%multiple_of3A, %dma_wait3A] : memref<10000x128xf32, #tpu.memory_space<hbm>> -> memref<1000x128xf32, #tpu.memory_space<hbm>>
          %dma_wait3A_31 = arith.constant 0 : i32
          %dma_wait3A_32 = tpu.memref_slice %arg9[%multiple_of3A, %dma_wait3A_31] : memref<10000x128xf32, #tpu.memory_space<vmem_shared>> -> memref<1000x128xf32, #tpu.memory_space<vmem_shared>>
          tpu.wait_dma2 semaphore(%run_scoped3A : memref<!tpu.dma_semaphore, #tpu.memory_space<semaphore_mem>>) src(%dma_wait3A_32 : memref<1000x128xf32, #tpu.memory_space<vmem_shared>>) dst(%dma_wait3A_30 : memref<1000x128xf32, #tpu.memory_space<hbm>>)
          tpu.yield
        }) : () -> ()
      } else {
      }
    } else {
    }
    return
  }
}

module attributes {stable_mosaic.version = 14 : i64} {
  func.func @_edge_body(%arg0: i32, %arg1: memref<512x1xf32, #tpu.memory_space<vmem>>, %arg2: memref<512x1xf32, #tpu.memory_space<vmem>>, %arg3: memref<512x128xf32, #tpu.memory_space<vmem>>, %arg4: memref<512x128xf32, #tpu.memory_space<vmem>>, %arg5: memref<1x64xf32, #tpu.memory_space<vmem>>, %arg6: memref<1x64xf32, #tpu.memory_space<vmem>>, %arg7: memref<64x64xf32, #tpu.memory_space<vmem>>, %arg8: memref<1x64xf32, #tpu.memory_space<vmem>>, %arg9: memref<1x1xf32, #tpu.memory_space<vmem>>, %arg10: memref<1x1xf32, #tpu.memory_space<vmem>>, %arg11: memref<1x64xf32, #tpu.memory_space<vmem>>, %arg12: memref<1x64xf32, #tpu.memory_space<vmem>>, %arg13: memref<512x128xf32, #tpu.memory_space<vmem>>, %arg14: memref<512x128xf32, #tpu.memory_space<vmem>>) attributes {dimension_semantics = [#tpu.dimension_semantics<arbitrary>], iteration_bounds = array<i64: 625>, scalar_prefetch = 0 : i64, scratch_operands = 0 : i64, tpu.core_type = #tpu.core_type<tc>, window_params = [{transform_indices = @transform_0, window_bounds = array<i64: 512, 1>}, {transform_indices = @transform_1, window_bounds = array<i64: 512, 1>}, {transform_indices = @transform_2, window_bounds = array<i64: 512, 128>}, {transform_indices = @transform_3, window_bounds = array<i64: 512, 128>}, {pipeline_mode = #tpu.pipeline_mode<synchronous>, transform_indices = @transform_4, window_bounds = array<i64: 1, 64>}, {pipeline_mode = #tpu.pipeline_mode<synchronous>, transform_indices = @transform_5, window_bounds = array<i64: 1, 64>}, {pipeline_mode = #tpu.pipeline_mode<synchronous>, transform_indices = @transform_6, window_bounds = array<i64: 64, 64>}, {pipeline_mode = #tpu.pipeline_mode<synchronous>, transform_indices = @transform_7, window_bounds = array<i64: 1, 64>}, {pipeline_mode = #tpu.pipeline_mode<synchronous>, transform_indices = @transform_8, window_bounds = array<i64: 1, 1>}, {pipeline_mode = #tpu.pipeline_mode<synchronous>, transform_indices = @transform_9, window_bounds = array<i64: 1, 1>}, {pipeline_mode = #tpu.pipeline_mode<synchronous>, transform_indices = @transform_10, window_bounds = array<i64: 1, 64>}, {pipeline_mode = #tpu.pipeline_mode<synchronous>, transform_indices = @transform_11, window_bounds = array<i64: 1, 64>}, {transform_indices = @transform_12, window_bounds = array<i64: 512, 128>}, {transform_indices = @transform_13, window_bounds = array<i64: 512, 128>}]} {
    %get3A = arith.constant 0 : index
    %get3A_0 = arith.constant 0 : index
    %get3A_1 = vector.load %arg1[%get3A, %get3A_0] : memref<512x1xf32, #tpu.memory_space<vmem>>, vector<512x1xf32>
    %get3A_2 = arith.constant 0 : index
    %get3A_3 = arith.constant 0 : index
    %get3A_4 = vector.load %arg11[%get3A_2, %get3A_3] : memref<1x64xf32, #tpu.memory_space<vmem>>, vector<1x64xf32>
    %get3A_5 = arith.constant 0 : index
    %get3A_6 = arith.constant 0 : index
    %get3A_7 = vector.load %arg12[%get3A_5, %get3A_6] : memref<1x64xf32, #tpu.memory_space<vmem>>, vector<1x64xf32>
    %sub3A = vector.broadcast %get3A_4 : vector<1x64xf32> to vector<512x64xf32>
    %sub3A_8 = vector.broadcast %get3A_1 : vector<512x1xf32> to vector<512x64xf32>
    %sub3A_9 = arith.subf %sub3A, %sub3A_8 : vector<512x64xf32>
    %sub3A_10 = vector.broadcast %get3A_1 : vector<512x1xf32> to vector<512x64xf32>
    %sub3A_11 = vector.broadcast %get3A_7 : vector<1x64xf32> to vector<512x64xf32>
    %sub3A_12 = arith.subf %sub3A_10, %sub3A_11 : vector<512x64xf32>
    %mul3A = arith.mulf %sub3A_9, %sub3A_12 : vector<512x64xf32>
    %gt3A = arith.constant 0.000000e+00 : f32
    %gt3A_13 = vector.broadcast %gt3A : f32 to vector<512x64xf32>
    %gt3A_14 = arith.cmpf ogt, %mul3A, %gt3A_13 : vector<512x64xf32>
    %jit3A = arith.constant 1.000000e+00 : f32
    %jit3A_15 = arith.constant 0.000000e+00 : f32
    %broadcast_in_dim3A = vector.broadcast %jit3A : f32 to vector<512x64xf32>
    %broadcast_in_dim3A_16 = vector.broadcast %jit3A_15 : f32 to vector<512x64xf32>
    %select_n3A = arith.select %gt3A_14, %broadcast_in_dim3A, %broadcast_in_dim3A_16 : vector<512x64xi1>, vector<512x64xf32>
    %get3A_17 = arith.constant 0 : index
    %get3A_18 = arith.constant 0 : index
    %get3A_19 = vector.load %arg5[%get3A_17, %get3A_18] : memref<1x64xf32, #tpu.memory_space<vmem>>, vector<1x64xf32>
    %get3A_20 = arith.constant 0 : index
    %get3A_21 = arith.constant 0 : index
    %get3A_22 = vector.load %arg6[%get3A_20, %get3A_21] : memref<1x64xf32, #tpu.memory_space<vmem>>, vector<1x64xf32>
    %mul3A_23 = vector.broadcast %get3A_1 : vector<512x1xf32> to vector<512x64xf32>
    %mul3A_24 = vector.broadcast %get3A_19 : vector<1x64xf32> to vector<512x64xf32>
    %mul3A_25 = arith.mulf %mul3A_23, %mul3A_24 : vector<512x64xf32>
    %add3A = vector.broadcast %get3A_22 : vector<1x64xf32> to vector<512x64xf32>
    %add3A_26 = arith.addf %mul3A_25, %add3A : vector<512x64xf32>
    %max3A = arith.constant 0.000000e+00 : f32
    %max3A_27 = vector.broadcast %max3A : f32 to vector<512x64xf32>
    %max3A_28 = arith.maximumf %add3A_26, %max3A_27 : vector<512x64xf32>
    %get3A_29 = arith.constant 0 : index
    %get3A_30 = arith.constant 0 : index
    %get3A_31 = vector.load %arg7[%get3A_29, %get3A_30] : memref<64x64xf32, #tpu.memory_space<vmem>>, vector<64x64xf32>
    %dot_general3A = arith.constant dense<0.000000e+00> : vector<512x64xf32>
    %dot_general3A_32 = tpu.matmul %max3A_28, %get3A_31, %dot_general3A {dimension_numbers = #tpu.dot_dimension_numbers<[1], [0], [0], [1], [0, 0, 1, 1], [], []>, transpose_lhs_hint = false} : vector<512x64xf32>, vector<64x64xf32>, vector<512x64xf32> -> vector<512x64xf32>
    %get3A_33 = arith.constant 0 : index
    %get3A_34 = arith.constant 0 : index
    %get3A_35 = vector.load %arg8[%get3A_33, %get3A_34] : memref<1x64xf32, #tpu.memory_space<vmem>>, vector<1x64xf32>
    %add3A_36 = vector.broadcast %get3A_35 : vector<1x64xf32> to vector<512x64xf32>
    %add3A_37 = arith.addf %dot_general3A_32, %add3A_36 : vector<512x64xf32>
    %max3A_38 = arith.constant 0.000000e+00 : f32
    %max3A_39 = vector.broadcast %max3A_38 : f32 to vector<1x64xf32>
    %max3A_40 = arith.maximumf %get3A_22, %max3A_39 : vector<1x64xf32>
    %add3A_41 = arith.addf %get3A_19, %get3A_22 : vector<1x64xf32>
    %max3A_42 = arith.constant 0.000000e+00 : f32
    %max3A_43 = vector.broadcast %max3A_42 : f32 to vector<1x64xf32>
    %max3A_44 = arith.maximumf %add3A_41, %max3A_43 : vector<1x64xf32>
    %max3A_45 = arith.maximumf %max3A_40, %max3A_44 : vector<1x64xf32>
    %get3A_46 = arith.constant 0 : index
    %get3A_47 = arith.constant 0 : index
    %get3A_48 = vector.load %arg8[%get3A_46, %get3A_47] : memref<1x64xf32, #tpu.memory_space<vmem>>, vector<1x64xf32>
    %get3A_49 = arith.constant 0 : index
    %get3A_50 = arith.constant 0 : index
    %get3A_51 = vector.load %arg7[%get3A_49, %get3A_50] : memref<64x64xf32, #tpu.memory_space<vmem>>, vector<64x64xf32>
    %transpose3A = tpu.transpose %max3A_45, [1, 0] : vector<1x64xf32> -> vector<64x1xf32>
    %mul3A_52 = vector.broadcast %transpose3A : vector<64x1xf32> to vector<64x64xf32>
    %mul3A_53 = arith.mulf %get3A_51, %mul3A_52 : vector<64x64xf32>
    %max3A_54 = arith.constant 0.000000e+00 : f32
    %max3A_55 = vector.broadcast %max3A_54 : f32 to vector<64x64xf32>
    %max3A_56 = arith.maximumf %mul3A_53, %max3A_55 : vector<64x64xf32>
    %reduce_sum3A = arith.constant dense<0.000000e+00> : vector<64xf32>
    %reduce_sum3A_57 = vector.multi_reduction <add>, %max3A_56, %reduce_sum3A [0] : vector<64x64xf32> to vector<64xf32>
    %broadcast_in_dim3A_58 = vector.shape_cast %reduce_sum3A_57 : vector<64xf32> to vector<1x64xf32>
    %add3A_59 = arith.addf %get3A_48, %broadcast_in_dim3A_58 : vector<1x64xf32>
    %sub3A_60 = vector.broadcast %add3A_59 : vector<1x64xf32> to vector<512x64xf32>
    %sub3A_61 = arith.subf %add3A_37, %sub3A_60 : vector<512x64xf32>
    %exp3A = math.exp %sub3A_61 : vector<512x64xf32>
    %get3A_62 = arith.constant 0 : index
    %get3A_63 = arith.constant 0 : index
    %get3A_64 = vector.load %arg9[%get3A_62, %get3A_63] : memref<1x1xf32, #tpu.memory_space<vmem>>, vector<1x1xf32>
    %get3A_65 = vector.extract %get3A_64[0, 0] : f32 from vector<1x1xf32>
    %jit3A_66 = arith.constant 0.000000e+00 : f32
    %jit3A_67 = arith.constant 1.000000e+00 : f32
    %max3A_68 = arith.maximumf %jit3A_66, %get3A_65 : f32
    %min3A = arith.minimumf %jit3A_67, %max3A_68 : f32
    %get3A_69 = arith.constant 0 : index
    %get3A_70 = arith.constant 0 : index
    %get3A_71 = vector.load %arg10[%get3A_69, %get3A_70] : memref<1x1xf32, #tpu.memory_space<vmem>>, vector<1x1xf32>
    %get3A_72 = vector.extract %get3A_71[0, 0] : f32 from vector<1x1xf32>
    %abs3A = math.absf %get3A_72 : f32
    %get3A_73 = arith.constant 0 : index
    %get3A_74 = arith.constant 0 : index
    %get3A_75 = vector.load %arg3[%get3A_73, %get3A_74] : memref<512x128xf32, #tpu.memory_space<vmem>>, vector<512x128xf32>
    %mul3A_76 = vector.broadcast %min3A : f32 to vector<512x128xf32>
    %mul3A_77 = arith.mulf %mul3A_76, %get3A_75 : vector<512x128xf32>
    %sub3A_78 = arith.constant 1.000000e+00 : f32
    %sub3A_79 = arith.subf %sub3A_78, %min3A : f32
    %get3A_80 = arith.constant 0 : index
    %get3A_81 = arith.constant 0 : index
    %get3A_82 = vector.load %arg4[%get3A_80, %get3A_81] : memref<512x128xf32, #tpu.memory_space<vmem>>, vector<512x128xf32>
    %mul3A_83 = vector.broadcast %sub3A_79 : f32 to vector<512x128xf32>
    %mul3A_84 = arith.mulf %mul3A_83, %get3A_82 : vector<512x128xf32>
    %sub3A_85 = arith.subf %mul3A_77, %mul3A_84 : vector<512x128xf32>
    %abs3A_86 = math.absf %sub3A_85 : vector<512x128xf32>
    %pow3A = vector.broadcast %abs3A : f32 to vector<512x128xf32>
    %pow3A_87 = math.powf %abs3A_86, %pow3A : vector<512x128xf32>
    %concatenate3A = tpu.concatenate %select_n3A, %exp3A in 1 : vector<512x64xf32>, vector<512x64xf32> -> vector<512x128xf32>
    %swap3A = arith.constant 0 : index
    %swap3A_88 = arith.constant 0 : index
    %swap3A_89 = vector.load %arg13[%swap3A, %swap3A_88] : memref<512x128xf32, #tpu.memory_space<vmem>>, vector<512x128xf32>
    tpu.vector_store %arg13[%swap3A, %swap3A_88], %concatenate3A {strides = array<i32>} : memref<512x128xf32, #tpu.memory_space<vmem>>, vector<512x128xf32>,
    %get3A_90 = arith.constant 0 : index
    %get3A_91 = arith.constant 0 : index
    %get3A_92 = vector.load %arg2[%get3A_90, %get3A_91] : memref<512x1xf32, #tpu.memory_space<vmem>>, vector<512x1xf32>
    %slice3A = vector.extract_strided_slice %pow3A_87 {offsets = [0, 0], sizes = [512, 64], strides = [1, 1]} : vector<512x128xf32> to vector<512x64xf32>
    %mul3A_93 = arith.mulf %select_n3A, %slice3A : vector<512x64xf32>
    %slice3A_94 = vector.extract_strided_slice %pow3A_87 {offsets = [0, 64], sizes = [512, 64], strides = [1, 1]} : vector<512x128xf32> to vector<512x64xf32>
    %mul3A_95 = arith.mulf %exp3A, %slice3A_94 : vector<512x64xf32>
    %concatenate3A_96 = tpu.concatenate %mul3A_93, %mul3A_95 in 1 : vector<512x64xf32>, vector<512x64xf32> -> vector<512x128xf32>
    %mul3A_97 = vector.broadcast %get3A_92 : vector<512x1xf32> to vector<512x128xf32>
    %mul3A_98 = arith.mulf %concatenate3A_96, %mul3A_97 : vector<512x128xf32>
    %swap3A_99 = arith.constant 0 : index
    %swap3A_100 = arith.constant 0 : index
    %swap3A_101 = vector.load %arg14[%swap3A_99, %swap3A_100] : memref<512x128xf32, #tpu.memory_space<vmem>>, vector<512x128xf32>
    tpu.vector_store %arg14[%swap3A_99, %swap3A_100], %mul3A_98 {strides = array<i32>} : memref<512x128xf32, #tpu.memory_space<vmem>>, vector<512x128xf32>,
    return
  }
  func.func @transform_0(%arg0: i32) -> (i32, i32) {
    %c0_i32 = arith.constant 0 : i32
    %c0_i32_0 = arith.constant 0 : i32
    return %arg0, %c0_i32 : i32, i32
  }
  func.func @transform_1(%arg0: i32) -> (i32, i32) {
    %c0_i32 = arith.constant 0 : i32
    %c0_i32_0 = arith.constant 0 : i32
    return %arg0, %c0_i32 : i32, i32
  }
  func.func @transform_2(%arg0: i32) -> (i32, i32) {
    %c0_i32 = arith.constant 0 : i32
    %c0_i32_0 = arith.constant 0 : i32
    return %arg0, %c0_i32 : i32, i32
  }
  func.func @transform_3(%arg0: i32) -> (i32, i32) {
    %c0_i32 = arith.constant 0 : i32
    %c0_i32_0 = arith.constant 0 : i32
    return %arg0, %c0_i32 : i32, i32
  }
  func.func @transform_4(%arg0: i32) -> (i32, i32) {
    %c0_i32 = arith.constant 0 : i32
    %c0_i32_0 = arith.constant 0 : i32
    %c0_i32_1 = arith.constant 0 : i32
    return %c0_i32, %c0_i32_0 : i32, i32
  }
  func.func @transform_5(%arg0: i32) -> (i32, i32) {
    %c0_i32 = arith.constant 0 : i32
    %c0_i32_0 = arith.constant 0 : i32
    %c0_i32_1 = arith.constant 0 : i32
    return %c0_i32, %c0_i32_0 : i32, i32
  }
  func.func @transform_6(%arg0: i32) -> (i32, i32) {
    %c0_i32 = arith.constant 0 : i32
    %c0_i32_0 = arith.constant 0 : i32
    %c0_i32_1 = arith.constant 0 : i32
    return %c0_i32, %c0_i32_0 : i32, i32
  }
  func.func @transform_7(%arg0: i32) -> (i32, i32) {
    %c0_i32 = arith.constant 0 : i32
    %c0_i32_0 = arith.constant 0 : i32
    %c0_i32_1 = arith.constant 0 : i32
    return %c0_i32, %c0_i32_0 : i32, i32
  }
  func.func @transform_8(%arg0: i32) -> (i32, i32) {
    %c0_i32 = arith.constant 0 : i32
    %c0_i32_0 = arith.constant 0 : i32
    %c0_i32_1 = arith.constant 0 : i32
    return %c0_i32, %c0_i32_0 : i32, i32
  }
  func.func @transform_9(%arg0: i32) -> (i32, i32) {
    %c0_i32 = arith.constant 0 : i32
    %c0_i32_0 = arith.constant 0 : i32
    %c0_i32_1 = arith.constant 0 : i32
    return %c0_i32, %c0_i32_0 : i32, i32
  }
  func.func @transform_10(%arg0: i32) -> (i32, i32) {
    %c0_i32 = arith.constant 0 : i32
    %c0_i32_0 = arith.constant 0 : i32
    %c0_i32_1 = arith.constant 0 : i32
    return %c0_i32, %c0_i32_0 : i32, i32
  }
  func.func @transform_11(%arg0: i32) -> (i32, i32) {
    %c0_i32 = arith.constant 0 : i32
    %c0_i32_0 = arith.constant 0 : i32
    %c0_i32_1 = arith.constant 0 : i32
    return %c0_i32, %c0_i32_0 : i32, i32
  }
  func.func @transform_12(%arg0: i32) -> (i32, i32) {
    %c0_i32 = arith.constant 0 : i32
    %c0_i32_0 = arith.constant 0 : i32
    return %arg0, %c0_i32 : i32, i32
  }
  func.func @transform_13(%arg0: i32) -> (i32, i32) {
    %c0_i32 = arith.constant 0 : i32
    %c0_i32_0 = arith.constant 0 : i32
    return %arg0, %c0_i32 : i32, i32
  }
}

module attributes {stable_mosaic.version = 14 : i64} {
  func.func @_node_body(%arg0: i32, %arg1: memref<1000x128xf32, #tpu.memory_space<vmem>>, %arg2: memref<1000x128xf32, #tpu.memory_space<vmem>>, %arg3: memref<1000x128xf32, #tpu.memory_space<vmem>>, %arg4: memref<1000x128xf32, #tpu.memory_space<vmem>>, %arg5: memref<1000x128xf32, #tpu.memory_space<vmem>>, %arg6: memref<128x128xf32, #tpu.memory_space<vmem>>, %arg7: memref<128x128xf32, #tpu.memory_space<vmem>>, %arg8: memref<1x128xf32, #tpu.memory_space<vmem>>, %arg9: memref<1000x128xf32, #tpu.memory_space<vmem>>) attributes {dimension_semantics = [#tpu.dimension_semantics<arbitrary>], iteration_bounds = array<i64: 10>, scalar_prefetch = 0 : i64, scratch_operands = 0 : i64, tpu.core_type = #tpu.core_type<tc>, window_params = [{transform_indices = @transform_0, window_bounds = array<i64: 1000, 128>}, {transform_indices = @transform_1, window_bounds = array<i64: 1000, 128>}, {transform_indices = @transform_2, window_bounds = array<i64: 1000, 128>}, {transform_indices = @transform_3, window_bounds = array<i64: 1000, 128>}, {transform_indices = @transform_4, window_bounds = array<i64: 1000, 128>}, {pipeline_mode = #tpu.pipeline_mode<synchronous>, transform_indices = @transform_5, window_bounds = array<i64: 128, 128>}, {pipeline_mode = #tpu.pipeline_mode<synchronous>, transform_indices = @transform_6, window_bounds = array<i64: 128, 128>}, {pipeline_mode = #tpu.pipeline_mode<synchronous>, transform_indices = @transform_7, window_bounds = array<i64: 1, 128>}, {transform_indices = @transform_8, window_bounds = array<i64: 1000, 128>}]} {
    %get3A = arith.constant 0 : index
    %get3A_0 = arith.constant 0 : index
    %get3A_1 = vector.load %arg2[%get3A, %get3A_0] : memref<1000x128xf32, #tpu.memory_space<vmem>>, vector<1000x128xf32>
    %get3A_2 = arith.constant 0 : index
    %get3A_3 = arith.constant 0 : index
    %get3A_4 = vector.load %arg3[%get3A_2, %get3A_3] : memref<1000x128xf32, #tpu.memory_space<vmem>>, vector<1000x128xf32>
    %add3A = arith.addf %get3A_1, %get3A_4 : vector<1000x128xf32>
    %get3A_5 = arith.constant 0 : index
    %get3A_6 = arith.constant 0 : index
    %get3A_7 = vector.load %arg4[%get3A_5, %get3A_6] : memref<1000x128xf32, #tpu.memory_space<vmem>>, vector<1000x128xf32>
    %get3A_8 = arith.constant 0 : index
    %get3A_9 = arith.constant 0 : index
    %get3A_10 = vector.load %arg5[%get3A_8, %get3A_9] : memref<1000x128xf32, #tpu.memory_space<vmem>>, vector<1000x128xf32>
    %add3A_11 = arith.addf %get3A_7, %get3A_10 : vector<1000x128xf32>
    %slice3A = vector.extract_strided_slice %add3A {offsets = [0, 0], sizes = [1000, 64], strides = [1, 1]} : vector<1000x128xf32> to vector<1000x64xf32>
    %slice3A_12 = vector.extract_strided_slice %add3A {offsets = [0, 64], sizes = [1000, 64], strides = [1, 1]} : vector<1000x128xf32> to vector<1000x64xf32>
    %slice3A_13 = vector.extract_strided_slice %add3A_11 {offsets = [0, 0], sizes = [1000, 64], strides = [1, 1]} : vector<1000x128xf32> to vector<1000x64xf32>
    %add3A_14 = arith.constant 9.99999974E-6 : f32
    %add3A_15 = vector.broadcast %add3A_14 : f32 to vector<1000x64xf32>
    %add3A_16 = arith.addf %slice3A, %add3A_15 : vector<1000x64xf32>
    %div3A = arith.divf %slice3A_13, %add3A_16 : vector<1000x64xf32>
    %gt3A = arith.constant 0.000000e+00 : f32
    %gt3A_17 = vector.broadcast %gt3A : f32 to vector<1000x64xf32>
    %gt3A_18 = arith.cmpf ogt, %slice3A_12, %gt3A_17 : vector<1000x64xf32>
    %slice3A_19 = vector.extract_strided_slice %add3A_11 {offsets = [0, 64], sizes = [1000, 64], strides = [1, 1]} : vector<1000x128xf32> to vector<1000x64xf32>
    %gt3A_20 = arith.constant 0.000000e+00 : f32
    %gt3A_21 = vector.broadcast %gt3A_20 : f32 to vector<1000x64xf32>
    %gt3A_22 = arith.cmpf ogt, %slice3A_12, %gt3A_21 : vector<1000x64xf32>
    %jit3A = arith.constant 1.000000e+00 : f32
    %broadcast_in_dim3A = vector.broadcast %jit3A : f32 to vector<1000x64xf32>
    %select_n3A = arith.select %gt3A_22, %slice3A_12, %broadcast_in_dim3A : vector<1000x64xi1>, vector<1000x64xf32>
    %div3A_23 = arith.divf %slice3A_19, %select_n3A : vector<1000x64xf32>
    %jit3A_24 = arith.constant 0.000000e+00 : f32
    %broadcast_in_dim3A_25 = vector.broadcast %jit3A_24 : f32 to vector<1000x64xf32>
    %select_n3A_26 = arith.select %gt3A_18, %div3A_23, %broadcast_in_dim3A_25 : vector<1000x64xi1>, vector<1000x64xf32>
    %concatenate3A = tpu.concatenate %div3A, %select_n3A_26 in 1 : vector<1000x64xf32>, vector<1000x64xf32> -> vector<1000x128xf32>
    %get3A_27 = arith.constant 0 : index
    %get3A_28 = arith.constant 0 : index
    %get3A_29 = vector.load %arg1[%get3A_27, %get3A_28] : memref<1000x128xf32, #tpu.memory_space<vmem>>, vector<1000x128xf32>
    %get3A_30 = arith.constant 0 : index
    %get3A_31 = arith.constant 0 : index
    %get3A_32 = vector.load %arg6[%get3A_30, %get3A_31] : memref<128x128xf32, #tpu.memory_space<vmem>>, vector<128x128xf32>
    %dot_general3A = arith.constant dense<0.000000e+00> : vector<1000x128xf32>
    %dot_general3A_33 = tpu.matmul %get3A_29, %get3A_32, %dot_general3A {dimension_numbers = #tpu.dot_dimension_numbers<[1], [0], [0], [1], [0, 0, 1, 1], [], []>, transpose_lhs_hint = false} : vector<1000x128xf32>, vector<128x128xf32>, vector<1000x128xf32> -> vector<1000x128xf32>
    %get3A_34 = arith.constant 0 : index
    %get3A_35 = arith.constant 0 : index
    %get3A_36 = vector.load %arg7[%get3A_34, %get3A_35] : memref<128x128xf32, #tpu.memory_space<vmem>>, vector<128x128xf32>
    %dot_general3A_37 = arith.constant dense<0.000000e+00> : vector<1000x128xf32>
    %dot_general3A_38 = tpu.matmul %concatenate3A, %get3A_36, %dot_general3A_37 {dimension_numbers = #tpu.dot_dimension_numbers<[1], [0], [0], [1], [0, 0, 1, 1], [], []>, transpose_lhs_hint = false} : vector<1000x128xf32>, vector<128x128xf32>, vector<1000x128xf32> -> vector<1000x128xf32>
    %get3A_39 = arith.constant 0 : index
    %get3A_40 = arith.constant 0 : index
    %get3A_41 = vector.load %arg8[%get3A_39, %get3A_40] : memref<1x128xf32, #tpu.memory_space<vmem>>, vector<1x128xf32>
    %add3A_42 = vector.broadcast %get3A_41 : vector<1x128xf32> to vector<1000x128xf32>
    %add3A_43 = arith.addf %dot_general3A_38, %add3A_42 : vector<1000x128xf32>
    %add3A_44 = arith.addf %dot_general3A_33, %add3A_43 : vector<1000x128xf32>
    %max3A = arith.constant 0.000000e+00 : f32
    %max3A_45 = vector.broadcast %max3A : f32 to vector<1000x128xf32>
    %max3A_46 = arith.maximumf %add3A_44, %max3A_45 : vector<1000x128xf32>
    %swap3A = arith.constant 0 : index
    %swap3A_47 = arith.constant 0 : index
    %swap3A_48 = vector.load %arg9[%swap3A, %swap3A_47] : memref<1000x128xf32, #tpu.memory_space<vmem>>, vector<1000x128xf32>
    tpu.vector_store %arg9[%swap3A, %swap3A_47], %max3A_46 {strides = array<i32>} : memref<1000x128xf32, #tpu.memory_space<vmem>>, vector<1000x128xf32>,
    return
  }
  func.func @transform_0(%arg0: i32) -> (i32, i32) {
    %c0_i32 = arith.constant 0 : i32
    %c0_i32_0 = arith.constant 0 : i32
    return %arg0, %c0_i32 : i32, i32
  }
  func.func @transform_1(%arg0: i32) -> (i32, i32) {
    %c0_i32 = arith.constant 0 : i32
    %c0_i32_0 = arith.constant 0 : i32
    return %arg0, %c0_i32 : i32, i32
  }
  func.func @transform_2(%arg0: i32) -> (i32, i32) {
    %c0_i32 = arith.constant 0 : i32
    %c0_i32_0 = arith.constant 0 : i32
    return %arg0, %c0_i32 : i32, i32
  }
  func.func @transform_3(%arg0: i32) -> (i32, i32) {
    %c0_i32 = arith.constant 0 : i32
    %c0_i32_0 = arith.constant 0 : i32
    return %arg0, %c0_i32 : i32, i32
  }
  func.func @transform_4(%arg0: i32) -> (i32, i32) {
    %c0_i32 = arith.constant 0 : i32
    %c0_i32_0 = arith.constant 0 : i32
    return %arg0, %c0_i32 : i32, i32
  }
  func.func @transform_5(%arg0: i32) -> (i32, i32) {
    %c0_i32 = arith.constant 0 : i32
    %c0_i32_0 = arith.constant 0 : i32
    %c0_i32_1 = arith.constant 0 : i32
    return %c0_i32, %c0_i32_0 : i32, i32
  }
  func.func @transform_6(%arg0: i32) -> (i32, i32) {
    %c0_i32 = arith.constant 0 : i32
    %c0_i32_0 = arith.constant 0 : i32
    %c0_i32_1 = arith.constant 0 : i32
    return %c0_i32, %c0_i32_0 : i32, i32
  }
  func.func @transform_7(%arg0: i32) -> (i32, i32) {
    %c0_i32 = arith.constant 0 : i32
    %c0_i32_0 = arith.constant 0 : i32
    %c0_i32_1 = arith.constant 0 : i32
    return %c0_i32, %c0_i32_0 : i32, i32
  }
  func.func @transform_8(%arg0: i32) -> (i32, i32) {
    %c0_i32 = arith.constant 0 : i32
    %c0_i32_0 = arith.constant 0 : i32
    return %arg0, %c0_i32 : i32, i32
  }
}

</mosaic_0001>

<sc_bundles>
// kernel: kernel.11.cloned.1.call-start
scs
__scs_entry_jumppad:
0x0: {  	(pc) =	sbr.rel $0x88, $3  }
0x1: {  	(tag) =	ssettag $0x0;
	lr =	simm.s32 $0x1  }
0x2: {  	[smem:$0x3F93] =	sst lr;
	_ =	strace $0xD0000000  }
0x3: {  	_ = 	snop  }
0x4: {  	_ = 	snop  }
0x5: {  	_ = 	snop  }
0x6: {  	_ = 	snop  }
0x7: {  	_ = 	snop  }
__scs_overlays_trampoline_lowered:
0x8: {  	[smem:$0x3FA2] =	sst s0  }
0x9: {  	[smem:$0x3FA3] =	sst s1  }
0xa: {  	[smem:$0x3FA4] =	sst s2  }
0xb: {  	[smem:$0x3FA5] =	sst s3  }
0xc: {  	[smem:$0x3FA6] =	sst s4  }
0xd: {  	[smem:$0x3FA7] =	sst s5  }
0xe: {  	[smem:$0x3FA8] =	sst s6  }
0xf: {  	[smem:$0x3FA9] =	sst s7  }
0x10: {  	[smem:$0x3FAA] =	sst s8  }
0x11: {  	[smem:$0x3FAB] =	sst s9;
	s0 =	simm.s32 @!p0 $0x0  }
0x12: {  	s1 =	sld [smem:$0x3F91];
	s0 =	simm.s32 @p0 $0x1  }
0x13: {  	[smem:$0x3FAC] =	sst s0;
	s0 =	simm.s32 @!p1 $0x0  }
0x14: {  	s2 =	sld [smem:$0x3F90];
	s0 =	simm.s32 @p1 $0x1  }
0x15: {  	[smem:$0x3FAD] =	sst s0;
	s0 =	simm.s32 @!p2 $0x0  }
0x16: {  	s3 =	sld [smem:$0x3FDB];
	s0 =	simm.s32 @p2 $0x1  }
0x17: {  	s4 =	simm.s32 $0x1BF5;
	[smem:$0x3FAF] =	sst s0  }
0x18: {  	s0 =	sld [smem:$0x3F92];
	_ =	swait.ge [sflag:s4], $0x0  }
0x19: {  	s7 =	sld [smem:$0x3F93]  }
0x1a: {  	s8 =	sadd.s32 $0xFFFFE003, lr  }
0x1b: {  	s9 =	sadd.s32 $0xFFFFFEF7, lr;
	s5 =	simm.s32 $0xFFFFFFFF;
	p2 =	slt.u32 s8, $0xFFFFF086  }
0x1c: {  	p1 =	slt.u32 s9, $0xF7A;
	s5 =	simm.s32 @!p2 $0x0  }
0x1d: {  	s5 =	simm.s32 @p1 $0x1;
	p0 =	seq.s32 s7, s2  }
0x1e: {  	s7 =	smul.u32 @!p0 $0xF7A, s2;
	p2 =	seq.s32 @!p0 s5, $0x0  }
0x1f: {  	s9 =	smul.u32 $0xF7A, s1;
	s8 =	simm.s32 @!p0 $0x1BF5;
	p2 =	por !p2, p0  }
0x20: {  	[sflag:s8] =	ssyncset.s32 @!p0 $0xFFFFF086;
	s6 =	sadd.s32 @!p0 s3, s7;
	s7 =	simm.s32 @!p0 $0x108  }
0x21: {  	s3 =	sadd.s32 s3, s9;
	s6 =	sadd.s32 @!p0 $0x88, s6;
	s7 =	simm.s32 @p2 $0x1082  }
0x22: {  	[simem:s7], [sflag:s8] =	dma.local @!p0 [hbm:s6], $0xF7A  }
0x23: {  	s9 =	sor.u32 $0xD0000000, s2;
	s6 =	simm.s32 $0x108;
	_ =	swait.ge @!p0 [sflag:s8], $0x0  }
0x24: {  	s3 =	sadd.s32 $0x88, s3;
	s6 =	simm.s32 @!p1 $0x1082;
	[sflag:s4] =	ssyncset.s32 $0xFFFFF086  }
0x25: {  	[simem:s6], [sflag:s4] =	dma.local [hbm:s3], $0xF7A  }
0x26: {  	[smem:$0x3F93] =	sst s1;
	(tag) =	ssettag s2;
	_ =	strace s9  }
0x27: {  	s1 =	sld [smem:$0x3FA3]  }
0x28: {  	s2 =	sld [smem:$0x3FA4]  }
0x29: {  	s4 =	sld [smem:$0x3FA6]  }
0x2a: {  	p0 =	seq.s32 s5, $0x0;
	s5 =	sld [smem:$0x3FA7]  }
0x2b: {  	s6 =	sld [smem:$0x3FA8]  }
0x2c: {  	s7 =	sld [smem:$0x3FA9]  }
0x2d: {  	s3 =	simm.s32 $0x108;
	s8 =	sld [smem:$0x3FAA]  }
0x2e: {  	s3 =	simm.s32 @!p0 $0x1082;
	s9 =	sld [smem:$0x3FAB]  }
0x2f: {  	lr =	sadd.s32 s0, s3;
	s0 =	sld [smem:$0x3FA2]  }
0x30: {  	s3 =	sld [smem:$0x3FA5]  }
0x31: {  	[smem:$0x3FAE] =	sst s10  }
0x32: {  	s10 =	sld [smem:$0x3FAC];
	_ =	sdelay $0x3  }
0x33: {  	p0 =	seq.s32 s10, $0x1;
	s10 =	sld [smem:$0x3FAE];
	_ =	sdelay $0x3  }
0x34: {  	[smem:$0x3FAE] =	sst s10  }
0x35: {  	s10 =	sld [smem:$0x3FAD];
	_ =	sdelay $0x3  }
0x36: {  	p1 =	seq.s32 s10, $0x1;
	s10 =	sld [smem:$0x3FAE];
	_ =	sdelay $0x3  }
0x37: {  	[smem:$0x3FAE] =	sst s10  }
0x38: {  	s10 =	sld [smem:$0x3FAF]  }
0x39: {  	_ = 	snop;
	(pc) =	sbr.ind lr, $3  }
0x3a: {  	_ = 	snop  }
0x3b: {  	_ = 	snop  }
0x3c: {  	p2 =	seq.s32 s10, $0x1;
	s10 =	sld [smem:$0x3FAE]  }
0x3d: {  	_ =	shalt  }
0x3e: {  	_ =	shalt  }
0x3f: {  	_ =	shalt  }
0x40: {  	_ =	shalt  }
0x41: {  	_ =	shalt  }
0x42: {  	_ =	shalt  }
0x43: {  	_ =	shalt  }
0x44: {  	_ =	shalt  }
0x45: {  	_ =	shalt  }
0x46: {  	_ =	shalt  }
0x47: {  	_ =	shalt  }
0x48: {  	_ =	shalt  }
0x49: {  	_ =	shalt  }
0x4a: {  	_ =	shalt  }
0x4b: {  	_ =	shalt  }
0x4c: {  	_ =	shalt  }
0x4d: {  	_ =	shalt  }
0x4e: {  	_ =	shalt  }
0x4f: {  	_ =	shalt  }
0x50: {  	_ =	shalt  }
0x51: {  	_ =	shalt  }
0x52: {  	_ =	shalt  }
0x53: {  	_ =	shalt  }
0x54: {  	_ =	shalt  }
0x55: {  	_ =	shalt  }
0x56: {  	_ =	shalt  }
0x57: {  	_ =	shalt  }
0x58: {  	_ =	shalt  }
0x59: {  	_ =	shalt  }
0x5a: {  	_ =	shalt  }
0x5b: {  	_ =	shalt  }
0x5c: {  	_ =	shalt  }
0x5d: {  	_ =	shalt  }
0x5e: {  	_ =	shalt  }
0x5f: {  	_ =	shalt  }
0x60: {  	_ =	shalt  }
0x61: {  	_ =	shalt  }
0x62: {  	_ =	shalt  }
0x63: {  	_ =	shalt  }
0x64: {  	_ =	shalt  }
0x65: {  	_ =	shalt  }
0x66: {  	_ =	shalt  }
0x67: {  	_ =	shalt  }
0x68: {  	_ =	shalt  }
0x69: {  	_ =	shalt  }
0x6a: {  	_ =	shalt  }
0x6b: {  	_ =	shalt  }
0x6c: {  	_ =	shalt  }
0x6d: {  	_ =	shalt  }
0x6e: {  	_ =	shalt  }
0x6f: {  	_ =	shalt  }
0x70: {  	_ =	shalt  }
0x71: {  	_ =	shalt  }
0x72: {  	_ =	shalt  }
0x73: {  	_ =	shalt  }
0x74: {  	_ =	shalt  }
0x75: {  	_ =	shalt  }
0x76: {  	_ =	shalt  }
0x77: {  	_ =	shalt  }
0x78: {  	_ =	shalt  }
0x79: {  	_ =	shalt  }
0x7a: {  	_ =	shalt  }
0x7b: {  	_ =	shalt  }
0x7c: {  	_ =	shalt  }
0x7d: {  	_ =	shalt  }
0x7e: {  	_ =	shalt  }
0x7f: {  	_ =	shalt  }
0x80: {  	_ =	shalt  }
0x81: {  	_ =	shalt  }
0x82: {  	_ =	shalt  }
0x83: {  	_ =	shalt  }
0x84: {  	_ =	shalt  }
0x85: {  	_ =	shalt  }
0x86: {  	_ =	shalt  }
0x87: {  	_ =	shalt  }
.Lfunc_end0:
.L_simem_size_0:
called_computation.1_lowered:
.L_overlay_start_0:
0x88: {  	s2 =	sld [smem:$0x3FD9]  }
0x89: {  	s3 =	sld [smem:$0x3FFE];
	_ =	sdelay $0x1  }
0x8a: {  	s1 =	srdreg.scid  }
0x8b: {  	s0 =	sand.u32 $0x1, s1  }
0x8c: {  	s17 =	sshll.u32 s0, $0xA;
	s2 =	sadd.s32 s3, s2  }
0x8d: {  	s2 =	sadd.s32 s2, s17  }
0x8e: {  	[smem:$0x3FBA] =	sst s2  }
0x8f: {  	_ = 	snop  }
0x90: {  	s2 =	sld [smem:$0x3FC9]  }
0x91: {  	s18 =	sld [smem:$0x3FBC];
	(tm) =	ssettm $0x1  }
0x92: {  	s4 =	sld [smem:$0x3FFB];
	_ =	sdelay $0x3  }
0x93: {  	_ =	strace s4  }
0x94: {  	s4 =	sld [smem:$0x3FFC];
	_ =	sdelay $0x3  }
0x95: {  	_ =	strace s4  }
0x96: {  	s4 =	sld [smem:$0x3FFD];
	_ =	sdelay $0x3  }
0x97: {  	_ =	strace s4  }
0x98: {  	_ =	strace $0x8FFFFFFF  }
0x99: {  	s19 =	sld [smem:$0x3FDB];
	_ =	sdelay $0x1  }
0x9a: {  	s5 =	simm.s32 $_scs_section_size  }
0x9b: {  	s6 =	simm.s32 $_size__tile_overlayer_lowered;
	s7 =	simm.s32 $_tile_overlayer_lowered  }
0x9c: {  	s22 =	simm.s32 $0x1BFF;
	s21 =	sshll.u32 s7, $0x1;
	s4 =	sadd.s32 s5, s19  }
0x9d: {  	s8 =	simm.s32 $0x0;
	s20 =	sshll.u32 s6, $0x1;
	s6 =	sadd.s32 s21, s4  }
0x9e: {  	[timem:s8], [sflag:s22] =	dma.local [hbm:s6], s20  }
0x9f: {  	_ =	swait.ge [sflag:s22], s20  }
0xa0: {  	s5 =	ssub.s32 $0x0, s20;
	[sflag:s22] =	ssyncset.done $0x0  }
0xa1: {  	[sflag:s22] =	ssyncadd.s32 s5;
	_ =	sdelay $0x1  }
0xa2: {  	s23 =	simm.s32 $0x1B8B  }
0xa3: {  	_ =	swait.ge [sflag:s23], $0x1  }
0xa4: {  	[sflag:s23] =	ssyncset.done $0x0  }
0xa5: {  	s25 =	simm.s32 $0x1B8E;
	s24 =	sld [smem:$0x3FFE];
	[sflag:s23] =	ssyncadd.s32 $0xFFFFFFFF  }
0xa6: {  	s26 =	simm.s32 $execute0_lowered;
	[smem:$0x3FD2] =	sst s25  }
0xa7: {  	s6 =	sshll.u32 s26, $0x1;
	_ =	strace $0x80000046;
	[dreg:$0x1] =	wrdreg $0xFFFFFFFF  }
0xa8: {  	s28 =	simm.s32 $_size_execute0_lowered;
	s4 =	sadd.s32 s4, s6;
	[dreg:$0x0] =	wrdreg $0x0  }
0xa9: {  	s6 =	sshll.u32 s28, $0x1;
	[dreg:$0x2] =	wrdreg s4  }
0xaa: {  	[dreg:$0x3] =	wrdreg s6  }
0xab: {  	[dreg:$0x4] =	wrdreg $0xC0  }
0xac: {  	_ =	task [dreg:s8], $0x5FFFF  }
0xad: {  	[dreg:$0x1] =	wrdreg $0xFFFFFFFF  }
0xae: {  	[dreg:$0x0] =	wrdreg $0x60  }
0xaf: {  	[dreg:$0x2] =	wrdreg s2  }
0xb0: {  	[dreg:$0x3] =	wrdreg s18  }
0xb1: {  	[dreg:$0x4] =	wrdreg s24  }
0xb2: {  	[dreg:$0x5] =	wrdreg $0xA  }
0xb3: {  	_ =	task.clear_ibuf [dreg:s8], $0x6FFFF;
	_ =	strace $0x90000046  }
0xb4: {  	s29 =	simm.s32 $0xA;
	_ =	strace $0x80000048  }
0xb5: {  	_ =	swait.ge [sflag:s29], $0x1  }
0xb6: {  	[sflag:s29] =	ssyncadd.s32 $0xFFFFFFFF  }
0xb7: {  	_ =	strace $0x90000048  }
0xb8: {  	_ =	sfence  }
0xb9: {  	s30 =	sld [smem:$0x0];
	_ =	sdelay $0x2  }
0xba: {  	s31 =	sshll.u32 s1, $0xD;
	s1 =	sshrl.u32 s1, $0x2  }
0xbb: {  	s3 =	sand.u32 $0x4000, s31;
	s1 =	sadd.s32 s1, s30  }
0xbc: {  	s0 =	sor.u32 s3, s0;
	s1 =	sshll.u32 s1, $0x11  }
0xbd: {  	s0 =	sor.u32 s1, s0  }
0xbe: {  	s0 =	sadd.s32 $0x8F2B, s0  }
0xbf: {  	[sflag:s0] =	ssyncadd.remote.s32 $0x1  }
0xc0: {  	_ =	sfence.sel $0xFFFF  }
0xc1: {  	[dreg:$0x0] =	wrdreg $0xFFFFFFFF;
	(pc) =	sbr.abs _section_cstart, $3  }
0xc2: {  	[dreg:$0x1] =	wrdreg $0xFFFFFFFF  }
0xc3: {  	_ =	task.clear_ibuf [dreg:s8], $0x2FFFF;
	_ =	strace $0x9FFFFFFF  }
0xc4: {  	(tm) =	ssettm $0x7FFFFFFF  }
0xc5: {  	_ =	shalt  }
tec
execute0_lowered:
.L_overlay_start_1:
0x0: {  	(tag) =	ssettag $0x1  }
0x1: {  	s1 =	rddreg [dreg:$0x0]  }
0x2: {  	s0 =	stileid.u32;
	s6 =	rddreg [dreg:$0x1]  }
0x3: {  	s2 =	srdreg.scid;
	s7 =	rddreg [dreg:$0x2]  }
0x4: {  	s3 =	simm.s32 $0x0;
	s11 =	simm.s32 $0x0;
	s4 =	smul.u32 $0x4E200, s0  }
0x5: {  	s5 =	sand.u32 $0x1, s2;
	s2 =	rddreg [dreg:$0x3];
	s9 =	smul.u32 $0x4E20, s0  }
0x6: {  	[smem:$0x7FF] =	sst s3;
	s8 =	smul.u32 $0x27100, s5;
	s10 =	ssub.s32 $0x2, s5  }
0x7: {  	s5 =	smul.u32 $0x2710, s5;
	s4 =	sadd.s32 s4, s7;
	s30 =	sshrl.u32 s10, $0x1  }
0x8: {  	_ =	strace $0x80000047;
	s7 =	ssub.s32 s10, s30;
	s8 =	sadd.s32 s8, s4  }
0x9: {  	s9 =	sadd.s32 s5, s9;
	s10 =	simm.s32 $0x1;
	s4 =	smax.u32 s7, $0x1  }
0xa: {  	s5 =	sadd.s32 $0x3400, s8;
	s31 =	sshrl.u32 s9, $0x3;
	s7 =	simm.s32 $0x2  }
0xb: {  	s8 =	simm.s32 $0x50;
	s9 =	simm.s32 $0x80;
	s6 =	sadd.s32 s31, s6  }
.LBB2_1:
0xc: {  	s12 =	sadd.s32 $0x0, s6  }
0xd: {  	[tilespmem:s3], [sflag:$0x2] =	stream.linear.gather [hbm4b:s12+s3], $0x50, $0x38;
	[tilespmem:$0x2880] =	vst v63  }
0xe: {  	_ =	swait.ge [sflag:s7], $0x50  }
0xf: {  	[sflag:s7] =	ssyncset.done $0x0  }
0x10: {  	[sflag:s7] =	ssyncadd.s32 $0xFFFFFFB0  }
0x11: {  	[tilespmem:s9], [sflag:$0x1] =	stream.indirect.gather [hbm4b:s1+s8], $0x80, s3, s8, $0xb8;
	[tilespmem:$0x2880] =	vst v63  }
0x12: {  	_ =	swait.ge [sflag:s10], $0x2800  }
0x13: {  	[sflag:s10] =	ssyncset.done $0x0  }
0x14: {  	[sflag:s10] =	ssyncadd.s32 $0xFFFFD800  }
0x15: {  	[hbm4b:s5+s3] =	stream.linear.scatter [tilespmem:s9], [sflag:$0x2], $0x2800, $0x38;
	[tilespmem:$0x2880] =	vst v63  }
0x16: {  	s13 =	simm.s32 $0xA;
	_ =	swait.ge [sflag:s7], $0x2800  }
0x17: {  	s14 =	simm.s32 $0x14;
	s12 =	sadd.s32 $0x500, s5;
	[sflag:s7] =	ssyncset.done $0x0  }
.LBB2_2:
0x18: {  	s15 =	sadd.s32 s13, s6  }
0x19: {  	[sflag:s7] =	ssyncadd.s32 $0xFFFFD800;
	s13 =	smov.u32 s14;
	s16 =	sadd.s32 $0xA, s14  }
0x1a: {  	[tilespmem:s3], [sflag:$0x2] =	stream.linear.gather [hbm4b:s15+s3], $0x50, $0x38;
	[tilespmem:$0x2880] =	vst v63  }
0x1b: {  	p0 =	sne.s32 s14, $0x4D8;
	_ =	swait.ge [sflag:s7], $0x50  }
0x1c: {  	[sflag:s7] =	ssyncset.done $0x0  }
0x1d: {  	[sflag:s7] =	ssyncadd.s32 $0xFFFFFFB0  }
0x1e: {  	[tilespmem:s9], [sflag:$0x1] =	stream.indirect.gather [hbm4b:s1+s8], $0x80, s3, s8, $0xb8;
	[tilespmem:$0x2880] =	vst v63  }
0x1f: {  	_ =	swait.ge [sflag:s10], $0x2800  }
.Ltmp0:
0x20: {  	[sflag:s10] =	ssyncset.done $0x0;
	(pc) =	sbr.rel @p0 .LBB2_2-.Ltmp0, $4  }
0x21: {  	[sflag:s10] =	ssyncadd.s32 $0xFFFFD800  }
0x22: {  	[hbm4b:s12+s3] =	stream.linear.scatter [tilespmem:s9], [sflag:$0x2], $0x2800, $0x38;
	[tilespmem:$0x2880] =	vst v63  }
0x23: {  	_ =	swait.ge [sflag:s7], $0x2800  }
0x24: {  	s14 =	smov.u32 s16;
	s12 =	sadd.s32 $0x500, s12;
	[sflag:s7] =	ssyncset.done $0x0  }
0x25: {  	s13 =	sadd.s32 s13, s6;
	[sflag:s7] =	ssyncadd.s32 $0xFFFFD800  }
0x26: {  	[tilespmem:s3], [sflag:$0x2] =	stream.linear.gather [hbm4b:s13+s3], $0x50, $0x38;
	[tilespmem:$0x2880] =	vst v63  }
0x27: {  	_ =	swait.ge [sflag:s7], $0x50  }
0x28: {  	[sflag:s7] =	ssyncset.done $0x0  }
0x29: {  	[sflag:s7] =	ssyncadd.s32 $0xFFFFFFB0  }
0x2a: {  	[tilespmem:s9], [sflag:$0x1] =	stream.indirect.gather [hbm4b:s1+s8], $0x80, s3, s8, $0xb8;
	[tilespmem:$0x2880] =	vst v63  }
0x2b: {  	s11 =	sadd.s32 $0x1, s11;
	_ =	swait.ge [sflag:s10], $0x2800  }
0x2c: {  	p0 =	sne.s32 s11, s4;
	[sflag:s10] =	ssyncset.done $0x0  }
.Ltmp1:
0x2d: {  	[sflag:s10] =	ssyncadd.s32 $0xFFFFD800;
	(pc) =	sbr.rel @p0 .LBB2_1-.Ltmp1, $4  }
0x2e: {  	[hbm4b:s12+s3] =	stream.linear.scatter [tilespmem:s9], [sflag:$0x2], $0x2800, $0x38;
	[tilespmem:$0x2880] =	vst v63  }
0x2f: {  	_ =	swait.ge [sflag:s7], $0x2800  }
0x30: {  	[sflag:s7] =	ssyncset.done $0x0  }
0x31: {  	[sflag:s7] =	ssyncadd.s32 $0xFFFFD800  }
0x32: {  	_ =	sfence.sel $0x180000  }
0x33: {  	[bflag:$0x0] =	sbarrier.arrive $0xFFFF  }
0x34: {  	p0 =	sne.s32 s0, $0x0;
	_ =	strace $0x90000047  }
0x35: {  	s0 =	sadd.s32 @!p0 $0x100000, s2;
	[bflag:$0x2] =	sbarrier.arrive $0xFFFF  }
0x36: {  	[sflag:s0] =	ssyncadd.tile.s32 @!p0 $0x1;
	_ =	shalt  }
.Lfunc_end2:
_tile_overlayer_lowered:
.L_overlay_start_2:
0x37: {  	(tag) =	ssettag $0x2  }
0x38: {  	s0 =	rddreg [dreg:$0x0];
	s2 =	stileid.u32  }
0x39: {  	s1 =	rddreg [dreg:$0x1];
	p0 =	sne.s32 s2, $0x0  }
0x3a: {  	s3 =	rddreg [dreg:$0x2];
	[bflag:$0x3] =	sbarrier.arrive $0xFFFF;
	s2 =	simm.s32 @!p0 $0x1C02  }
0x3b: {  	[timem:s3], [sflag:s2] =	dma.local @!p0 [hbm:s0], s1  }
0x3c: {  	s0 =	simm.s32 @!p0 $0x2  }
0x3d: {  	_ =	swait.ge @!p0 [sflag:s0], s1  }
0x3e: {  	s1 =	ssub.s32 @!p0 $0x0, s1;
	[sflag:s0] =	ssyncset.done @!p0 $0x0  }
0x3f: {  	[sflag:s0] =	ssyncadd.s32 @!p0 s1  }
0x40: {  	[bflag:$0x3] =	sbarrier.arrive $0xFFFF  }
0x41: {  	_ =	shalt  }

// kernel: kernel.14.cloned.1.call-start
scs
__scs_entry_jumppad:
0x0: {  	(pc) =	sbr.rel $0x88, $3  }
0x1: {  	(tag) =	ssettag $0x0;
	lr =	simm.s32 $0x1  }
0x2: {  	[smem:$0x3F93] =	sst lr;
	_ =	strace $0xD0000000  }
0x3: {  	_ = 	snop  }
0x4: {  	_ = 	snop  }
0x5: {  	_ = 	snop  }
0x6: {  	_ = 	snop  }
0x7: {  	_ = 	snop  }
__scs_overlays_trampoline_lowered:
0x8: {  	[smem:$0x3FA2] =	sst s0  }
0x9: {  	[smem:$0x3FA3] =	sst s1  }
0xa: {  	[smem:$0x3FA4] =	sst s2  }
0xb: {  	[smem:$0x3FA5] =	sst s3  }
0xc: {  	[smem:$0x3FA6] =	sst s4  }
0xd: {  	[smem:$0x3FA7] =	sst s5  }
0xe: {  	[smem:$0x3FA8] =	sst s6  }
0xf: {  	[smem:$0x3FA9] =	sst s7  }
0x10: {  	[smem:$0x3FAA] =	sst s8  }
0x11: {  	[smem:$0x3FAB] =	sst s9;
	s0 =	simm.s32 @!p0 $0x0  }
0x12: {  	s1 =	sld [smem:$0x3F91];
	s0 =	simm.s32 @p0 $0x1  }
0x13: {  	[smem:$0x3FAC] =	sst s0;
	s0 =	simm.s32 @!p1 $0x0  }
0x14: {  	s2 =	sld [smem:$0x3F90];
	s0 =	simm.s32 @p1 $0x1  }
0x15: {  	[smem:$0x3FAD] =	sst s0;
	s0 =	simm.s32 @!p2 $0x0  }
0x16: {  	s3 =	sld [smem:$0x3FDB];
	s0 =	simm.s32 @p2 $0x1  }
0x17: {  	s4 =	simm.s32 $0x1BF5;
	[smem:$0x3FAF] =	sst s0  }
0x18: {  	s0 =	sld [smem:$0x3F92];
	_ =	swait.ge [sflag:s4], $0x0  }
0x19: {  	s7 =	sld [smem:$0x3F93]  }
0x1a: {  	s8 =	sadd.s32 $0xFFFFE003, lr  }
0x1b: {  	s9 =	sadd.s32 $0xFFFFFEF7, lr;
	s5 =	simm.s32 $0xFFFFFFFF;
	p2 =	slt.u32 s8, $0xFFFFF086  }
0x1c: {  	p1 =	slt.u32 s9, $0xF7A;
	s5 =	simm.s32 @!p2 $0x0  }
0x1d: {  	s5 =	simm.s32 @p1 $0x1;
	p0 =	seq.s32 s7, s2  }
0x1e: {  	s7 =	smul.u32 @!p0 $0xF7A, s2;
	p2 =	seq.s32 @!p0 s5, $0x0  }
0x1f: {  	s9 =	smul.u32 $0xF7A, s1;
	s8 =	simm.s32 @!p0 $0x1BF5;
	p2 =	por !p2, p0  }
0x20: {  	[sflag:s8] =	ssyncset.s32 @!p0 $0xFFFFF086;
	s6 =	sadd.s32 @!p0 s3, s7;
	s7 =	simm.s32 @!p0 $0x108  }
0x21: {  	s3 =	sadd.s32 s3, s9;
	s6 =	sadd.s32 @!p0 $0x88, s6;
	s7 =	simm.s32 @p2 $0x1082  }
0x22: {  	[simem:s7], [sflag:s8] =	dma.local @!p0 [hbm:s6], $0xF7A  }
0x23: {  	s9 =	sor.u32 $0xD0000000, s2;
	s6 =	simm.s32 $0x108;
	_ =	swait.ge @!p0 [sflag:s8], $0x0  }
0x24: {  	s3 =	sadd.s32 $0x88, s3;
	s6 =	simm.s32 @!p1 $0x1082;
	[sflag:s4] =	ssyncset.s32 $0xFFFFF086  }
0x25: {  	[simem:s6], [sflag:s4] =	dma.local [hbm:s3], $0xF7A  }
0x26: {  	[smem:$0x3F93] =	sst s1;
	(tag) =	ssettag s2;
	_ =	strace s9  }
0x27: {  	s1 =	sld [smem:$0x3FA3]  }
0x28: {  	s2 =	sld [smem:$0x3FA4]  }
0x29: {  	s4 =	sld [smem:$0x3FA6]  }
0x2a: {  	p0 =	seq.s32 s5, $0x0;
	s5 =	sld [smem:$0x3FA7]  }
0x2b: {  	s6 =	sld [smem:$0x3FA8]  }
0x2c: {  	s7 =	sld [smem:$0x3FA9]  }
0x2d: {  	s3 =	simm.s32 $0x108;
	s8 =	sld [smem:$0x3FAA]  }
0x2e: {  	s3 =	simm.s32 @!p0 $0x1082;
	s9 =	sld [smem:$0x3FAB]  }
0x2f: {  	lr =	sadd.s32 s0, s3;
	s0 =	sld [smem:$0x3FA2]  }
0x30: {  	s3 =	sld [smem:$0x3FA5]  }
0x31: {  	[smem:$0x3FAE] =	sst s10  }
0x32: {  	s10 =	sld [smem:$0x3FAC];
	_ =	sdelay $0x3  }
0x33: {  	p0 =	seq.s32 s10, $0x1;
	s10 =	sld [smem:$0x3FAE];
	_ =	sdelay $0x3  }
0x34: {  	[smem:$0x3FAE] =	sst s10  }
0x35: {  	s10 =	sld [smem:$0x3FAD];
	_ =	sdelay $0x3  }
0x36: {  	p1 =	seq.s32 s10, $0x1;
	s10 =	sld [smem:$0x3FAE];
	_ =	sdelay $0x3  }
0x37: {  	[smem:$0x3FAE] =	sst s10  }
0x38: {  	s10 =	sld [smem:$0x3FAF]  }
0x39: {  	_ = 	snop;
	(pc) =	sbr.ind lr, $3  }
0x3a: {  	_ = 	snop  }
0x3b: {  	_ = 	snop  }
0x3c: {  	p2 =	seq.s32 s10, $0x1;
	s10 =	sld [smem:$0x3FAE]  }
0x3d: {  	_ =	shalt  }
0x3e: {  	_ =	shalt  }
0x3f: {  	_ =	shalt  }
0x40: {  	_ =	shalt  }
0x41: {  	_ =	shalt  }
0x42: {  	_ =	shalt  }
0x43: {  	_ =	shalt  }
0x44: {  	_ =	shalt  }
0x45: {  	_ =	shalt  }
0x46: {  	_ =	shalt  }
0x47: {  	_ =	shalt  }
0x48: {  	_ =	shalt  }
0x49: {  	_ =	shalt  }
0x4a: {  	_ =	shalt  }
0x4b: {  	_ =	shalt  }
0x4c: {  	_ =	shalt  }
0x4d: {  	_ =	shalt  }
0x4e: {  	_ =	shalt  }
0x4f: {  	_ =	shalt  }
0x50: {  	_ =	shalt  }
0x51: {  	_ =	shalt  }
0x52: {  	_ =	shalt  }
0x53: {  	_ =	shalt  }
0x54: {  	_ =	shalt  }
0x55: {  	_ =	shalt  }
0x56: {  	_ =	shalt  }
0x57: {  	_ =	shalt  }
0x58: {  	_ =	shalt  }
0x59: {  	_ =	shalt  }
0x5a: {  	_ =	shalt  }
0x5b: {  	_ =	shalt  }
0x5c: {  	_ =	shalt  }
0x5d: {  	_ =	shalt  }
0x5e: {  	_ =	shalt  }
0x5f: {  	_ =	shalt  }
0x60: {  	_ =	shalt  }
0x61: {  	_ =	shalt  }
0x62: {  	_ =	shalt  }
0x63: {  	_ =	shalt  }
0x64: {  	_ =	shalt  }
0x65: {  	_ =	shalt  }
0x66: {  	_ =	shalt  }
0x67: {  	_ =	shalt  }
0x68: {  	_ =	shalt  }
0x69: {  	_ =	shalt  }
0x6a: {  	_ =	shalt  }
0x6b: {  	_ =	shalt  }
0x6c: {  	_ =	shalt  }
0x6d: {  	_ =	shalt  }
0x6e: {  	_ =	shalt  }
0x6f: {  	_ =	shalt  }
0x70: {  	_ =	shalt  }
0x71: {  	_ =	shalt  }
0x72: {  	_ =	shalt  }
0x73: {  	_ =	shalt  }
0x74: {  	_ =	shalt  }
0x75: {  	_ =	shalt  }
0x76: {  	_ =	shalt  }
0x77: {  	_ =	shalt  }
0x78: {  	_ =	shalt  }
0x79: {  	_ =	shalt  }
0x7a: {  	_ =	shalt  }
0x7b: {  	_ =	shalt  }
0x7c: {  	_ =	shalt  }
0x7d: {  	_ =	shalt  }
0x7e: {  	_ =	shalt  }
0x7f: {  	_ =	shalt  }
0x80: {  	_ =	shalt  }
0x81: {  	_ =	shalt  }
0x82: {  	_ =	shalt  }
0x83: {  	_ =	shalt  }
0x84: {  	_ =	shalt  }
0x85: {  	_ =	shalt  }
0x86: {  	_ =	shalt  }
0x87: {  	_ =	shalt  }
.Lfunc_end0:
.L_simem_size_0:
called_computation.2_lowered:
.L_overlay_start_0:
0x88: {  	s2 =	sld [smem:$0x3FD9]  }
0x89: {  	s3 =	sld [smem:$0x3FFE];
	_ =	sdelay $0x1  }
0x8a: {  	s1 =	srdreg.scid  }
0x8b: {  	s0 =	sand.u32 $0x1, s1  }
0x8c: {  	s17 =	sshll.u32 s0, $0xA;
	s2 =	sadd.s32 s3, s2  }
0x8d: {  	s2 =	sadd.s32 s2, s17  }
0x8e: {  	[smem:$0x3FBA] =	sst s2  }
0x8f: {  	_ = 	snop  }
0x90: {  	s2 =	sld [smem:$0x3FBD]  }
0x91: {  	s18 =	sld [smem:$0x3FD0];
	(tm) =	ssettm $0x1  }
0x92: {  	s4 =	sld [smem:$0x3FFB];
	_ =	sdelay $0x3  }
0x93: {  	_ =	strace s4  }
0x94: {  	s4 =	sld [smem:$0x3FFC];
	_ =	sdelay $0x3  }
0x95: {  	_ =	strace s4  }
0x96: {  	s4 =	sld [smem:$0x3FFD];
	_ =	sdelay $0x3  }
0x97: {  	_ =	strace s4  }
0x98: {  	_ =	strace $0x8FFFFFFF  }
0x99: {  	s19 =	sld [smem:$0x3FDB];
	_ =	sdelay $0x1  }
0x9a: {  	s5 =	simm.s32 $_scs_section_size  }
0x9b: {  	s6 =	simm.s32 $_size__tile_overlayer_lowered;
	s7 =	simm.s32 $_tile_overlayer_lowered  }
0x9c: {  	s22 =	simm.s32 $0x1BFF;
	s21 =	sshll.u32 s7, $0x1;
	s4 =	sadd.s32 s5, s19  }
0x9d: {  	s8 =	simm.s32 $0x0;
	s20 =	sshll.u32 s6, $0x1;
	s6 =	sadd.s32 s21, s4  }
0x9e: {  	[timem:s8], [sflag:s22] =	dma.local [hbm:s6], s20  }
0x9f: {  	_ =	swait.ge [sflag:s22], s20  }
0xa0: {  	s5 =	ssub.s32 $0x0, s20;
	[sflag:s22] =	ssyncset.done $0x0  }
0xa1: {  	[sflag:s22] =	ssyncadd.s32 s5;
	_ =	sdelay $0x1  }
0xa2: {  	s23 =	simm.s32 $0x1B8B  }
0xa3: {  	_ =	swait.ge [sflag:s23], $0x1  }
0xa4: {  	[sflag:s23] =	ssyncset.done $0x0  }
0xa5: {  	s25 =	simm.s32 $0x1B8E;
	s24 =	sld [smem:$0x3FFE];
	[sflag:s23] =	ssyncadd.s32 $0xFFFFFFFF  }
0xa6: {  	s26 =	simm.s32 $execute0_lowered;
	[smem:$0x3FD2] =	sst s25  }
0xa7: {  	s6 =	sshll.u32 s26, $0x1;
	_ =	strace $0x8000004C;
	[dreg:$0x1] =	wrdreg $0xFFFFFFFF  }
0xa8: {  	s28 =	simm.s32 $_size_execute0_lowered;
	s4 =	sadd.s32 s4, s6;
	[dreg:$0x0] =	wrdreg $0x0  }
0xa9: {  	s6 =	sshll.u32 s28, $0x1;
	[dreg:$0x2] =	wrdreg s4  }
0xaa: {  	[dreg:$0x3] =	wrdreg s6  }
0xab: {  	[dreg:$0x4] =	wrdreg $0xC0  }
0xac: {  	_ =	task [dreg:s8], $0x5FFFF  }
0xad: {  	[dreg:$0x1] =	wrdreg $0xFFFFFFFF  }
0xae: {  	[dreg:$0x0] =	wrdreg $0x60  }
0xaf: {  	[dreg:$0x2] =	wrdreg s24  }
0xb0: {  	[dreg:$0x3] =	wrdreg s2  }
0xb1: {  	[dreg:$0x4] =	wrdreg s18  }
0xb2: {  	[dreg:$0x5] =	wrdreg $0x28800  }
0xb3: {  	[dreg:$0x6] =	wrdreg $0x9  }
0xb4: {  	_ =	task.clear_ibuf [dreg:s8], $0x7FFFF;
	_ =	strace $0x9000004C  }
0xb5: {  	s29 =	simm.s32 $0x9;
	_ =	strace $0x8000004E  }
0xb6: {  	_ =	swait.ge [sflag:s29], $0x1  }
0xb7: {  	[sflag:s29] =	ssyncadd.s32 $0xFFFFFFFF  }
0xb8: {  	_ =	strace $0x9000004E  }
0xb9: {  	_ =	sfence  }
0xba: {  	s30 =	sld [smem:$0x0];
	_ =	sdelay $0x2  }
0xbb: {  	s31 =	sshll.u32 s1, $0xD;
	s1 =	sshrl.u32 s1, $0x2  }
0xbc: {  	s3 =	sand.u32 $0x4000, s31;
	s1 =	sadd.s32 s1, s30  }
0xbd: {  	s0 =	sor.u32 s3, s0;
	s1 =	sshll.u32 s1, $0x11  }
0xbe: {  	s0 =	sor.u32 s1, s0  }
0xbf: {  	s0 =	sadd.s32 $0x8F2B, s0  }
0xc0: {  	[sflag:s0] =	ssyncadd.remote.s32 $0x1  }
0xc1: {  	_ =	sfence.sel $0xFFFF  }
0xc2: {  	[dreg:$0x0] =	wrdreg $0xFFFFFFFF;
	(pc) =	sbr.abs _section_cstart, $3  }
0xc3: {  	[dreg:$0x1] =	wrdreg $0xFFFFFFFF  }
0xc4: {  	_ =	task.clear_ibuf [dreg:s8], $0x2FFFF;
	_ =	strace $0x9FFFFFFF  }
0xc5: {  	(tm) =	ssettm $0x7FFFFFFF  }
tec
execute0_lowered:
.L_overlay_start_1:
0x0: {  	(tag) =	ssettag $0x1  }
0x1: {  	s5 =	rddreg [dreg:$0x0]  }
0x2: {  	s7 =	rddreg [dreg:$0x1]  }
0x3: {  	s1 =	rddreg [dreg:$0x2]  }
0x4: {  	s2 =	rddreg [dreg:$0x3];
	s12 =	stileid.u32  }
0x5: {  	s0 =	rddreg [dreg:$0x4];
	s3 =	simm.s32 $0x0;
	s6 =	smul.u32 $0x4E200, s12  }
0x6: {  	s4 =	srdreg.scid;
	s13 =	simm.s32 $0x2A600;
	s9 =	smul.u32 $0x7D000, s12  }
0x7: {  	[smem:$0x7FF] =	sst s3;
	s4 =	sand.u32 $0x1, s4;
	s11 =	smul.u32 $0x3E80, s12  }
0x8: {  	s29 =	smul.u32 $0x4E20, s12;
	p1 =	sgt.u32 s12, $0x9;
	_ =	strace $0x8000004D  }
0x9: {  	s8 =	ssub.s32 $0x2, s4;
	p0 =	seq.s32 s4, $0x1;
	s14 =	smul.u32 $0x2710, s4  }
0xa: {  	s30 =	smul.u32 $0x27100, s4;
	s6 =	sadd.s32 s6, s5;
	s10 =	sshrl.u32 s8, $0x1  }
0xb: {  	s9 =	sshrl.u32 s9, $0x2;
	s13 =	simm.s32 @!p0 $0x3400;
	p0 =	sne.s32 s12, $0x0  }
0xc: {  	s12 =	sshll.u32 @!p1 s12, $0x6;
	s8 =	ssub.s32 s8, s10;
	s15 =	sadd.s32 s9, s2  }
0xd: {  	s5 =	sadd.s32 s13, s5;
	s31 =	sadd.s32 s14, s29;
	s6 =	sadd.s32 s30, s6  }
0xe: {  	s9 =	simm.s32 $0x1;
	s10 =	simm.s32 $0x80;
	s12 =	sor.u32 @!p1 $0x1C01, s12  }
0xf: {  	s14 =	simm.s32 $0x0;
	s4 =	smax.u32 s8, $0x1;
	s5 =	sadd.s32 s5, s11  }
0x10: {  	s8 =	sshrl.u32 s31, $0x3;
	s6 =	sadd.s32 $0x138B600, s6;
	s11 =	simm.s32 $0x50  }
0x11: {  	s13 =	sshrl.u32 @!p1 s15, $0x3;
	s7 =	sadd.s32 s8, s7;
	s8 =	sshrl.u32 @!p0 s2, $0x3  }
.LBB2_1:
0x12: {  	s15 =	simm.s32 @!p0 $0x1C01  }
0x13: {  	[spmem:s8], [sflag:s15] =	dma.local @!p0 [hbm:s1], $0x27100  }
0x14: {  	s15 =	simm.s32 @!p0 $0x1  }
0x15: {  	_ =	swait.ge @!p0 [sflag:s15], $0x27100  }
0x16: {  	[sflag:s15] =	ssyncset.done @!p0 $0x0  }
0x17: {  	[sflag:s15] =	ssyncadd.s32 @!p0 $0xFFFD8F00  }
0x18: {  	s31 =	sadd.s32 $0x0, s7;
	[bflag:$0x0] =	sbarrier.arrive $0xFFFF  }
0x19: {  	[tilespmem:s3], [sflag:$0x1] =	stream.linear.gather [hbm4b:s31+s3], $0x50, $0x38;
	[tilespmem:$0x16100] =	vst v63  }
0x1a: {  	_ =	swait.ge [sflag:s9], $0x50  }
0x1b: {  	[sflag:s9] =	ssyncset.done $0x0  }
0x1c: {  	[sflag:s9] =	ssyncadd.s32 $0xFFFFFFB0  }
0x1d: {  	[tilespmem:s10], [sflag:$0x1] =	stream.linear.gather [hbm4b:s6+s3], $0x2800, $0x38;
	[tilespmem:$0x16100] =	vst v63  }
0x1e: {  	_ =	swait.ge [sflag:s9], $0x2800  }
0x1f: {  	[sflag:s9] =	ssyncset.done $0x0  }
0x20: {  	[sflag:s9] =	ssyncadd.s32 $0xFFFFD800  }
0x21: {  	[spmem:s2] =	stream.indirect.scatter.add.f32 [tilespmem:s10], [sflag:$0x1], $0x80, s3, s11, $0xb8;
	[tilespmem:$0x16100] =	vst v63  }
0x22: {  	s16 =	simm.s32 $0xA;
	_ =	swait.ge [sflag:s9], $0x2800  }
0x23: {  	s17 =	simm.s32 $0x14;
	s15 =	sadd.s32 $0x500, s6;
	[sflag:s9] =	ssyncset.done $0x0  }
.LBB2_2:
0x24: {  	s18 =	sadd.s32 s16, s7  }
0x25: {  	[sflag:s9] =	ssyncadd.s32 $0xFFFFD800;
	s16 =	smov.u32 s17;
	s19 =	sadd.s32 $0xA, s17  }
0x26: {  	[tilespmem:s3], [sflag:$0x1] =	stream.linear.gather [hbm4b:s18+s3], $0x50, $0x38;
	[tilespmem:$0x16100] =	vst v63  }
0x27: {  	p2 =	sne.s32 s17, $0x4D8;
	_ =	swait.ge [sflag:s9], $0x50  }
0x28: {  	[sflag:s9] =	ssyncset.done $0x0  }
0x29: {  	[sflag:s9] =	ssyncadd.s32 $0xFFFFFFB0  }
0x2a: {  	[tilespmem:s10], [sflag:$0x1] =	stream.linear.gather [hbm4b:s15+s3], $0x2800, $0x38;
	[tilespmem:$0x16100] =	vst v63  }
0x2b: {  	_ =	swait.ge [sflag:s9], $0x2800  }
.Ltmp0:
0x2c: {  	[sflag:s9] =	ssyncset.done $0x0;
	(pc) =	sbr.rel @p2 .LBB2_2-.Ltmp0, $4  }
0x2d: {  	[sflag:s9] =	ssyncadd.s32 $0xFFFFD800  }
0x2e: {  	[spmem:s2] =	stream.indirect.scatter.add.f32 [tilespmem:s10], [sflag:$0x1], $0x80, s3, s11, $0xb8;
	[tilespmem:$0x16100] =	vst v63  }
0x2f: {  	_ =	swait.ge [sflag:s9], $0x2800  }
0x30: {  	s17 =	smov.u32 s19;
	s15 =	sadd.s32 $0x500, s15;
	[sflag:s9] =	ssyncset.done $0x0  }
0x31: {  	s16 =	sadd.s32 s16, s7;
	[sflag:s9] =	ssyncadd.s32 $0xFFFFD800  }
0x32: {  	[tilespmem:s3], [sflag:$0x1] =	stream.linear.gather [hbm4b:s16+s3], $0x50, $0x38;
	[tilespmem:$0x16100] =	vst v63  }
0x33: {  	_ =	swait.ge [sflag:s9], $0x50  }
0x34: {  	[sflag:s9] =	ssyncset.done $0x0  }
0x35: {  	[sflag:s9] =	ssyncadd.s32 $0xFFFFFFB0  }
0x36: {  	[tilespmem:s10], [sflag:$0x1] =	stream.linear.gather [hbm4b:s15+s3], $0x2800, $0x38;
	[tilespmem:$0x16100] =	vst v63  }
0x37: {  	_ =	swait.ge [sflag:s9], $0x2800  }
0x38: {  	[sflag:s9] =	ssyncset.done $0x0  }
0x39: {  	[sflag:s9] =	ssyncadd.s32 $0xFFFFD800  }
0x3a: {  	[spmem:s2] =	stream.indirect.scatter.add.f32 [tilespmem:s10], [sflag:$0x1], $0x80, s3, s11, $0xb8;
	[tilespmem:$0x16100] =	vst v63  }
0x3b: {  	_ =	swait.ge [sflag:s9], $0x2800  }
0x3c: {  	s14 =	sadd.s32 $0x1, s14;
	[sflag:s9] =	ssyncset.done $0x0  }
0x3d: {  	p2 =	sne.s32 s14, s4;
	[sflag:s9] =	ssyncadd.s32 $0xFFFFD800  }
.Ltmp1:
0x3e: {  	s15 =	simm.s32 @!p1 $0x1;
	[bflag:$0x0] =	sbarrier.arrive $0xFFFF;
	(pc) =	sbr.rel @p2 .LBB2_1-.Ltmp1, $4  }
0x3f: {  	[hbm:s5], [sflag:s12] =	dma.local @!p1 [spmem:s13], $0x3E80  }
0x40: {  	_ =	swait.ge @!p1 [sflag:s15], $0x3E80  }
0x41: {  	[sflag:s15] =	ssyncset.done @!p1 $0x0  }
0x42: {  	[sflag:s15] =	ssyncadd.s32 @!p1 $0xFFFFC180  }
0x43: {  	_ =	sfence.sel $0x180000  }
0x44: {  	[bflag:$0x0] =	sbarrier.arrive $0xFFFF  }
0x45: {  	_ =	strace $0x9000004D  }
0x46: {  	s0 =	sadd.s32 @!p0 $0x100000, s0;
	[bflag:$0x2] =	sbarrier.arrive $0xFFFF  }
0x47: {  	[sflag:s0] =	ssyncadd.tile.s32 @!p0 $0x1;
	_ =	shalt  }
.Lfunc_end2:
_tile_overlayer_lowered:
.L_overlay_start_2:
0x48: {  	(tag) =	ssettag $0x2  }
0x49: {  	s0 =	rddreg [dreg:$0x0];
	s2 =	stileid.u32  }
0x4a: {  	s1 =	rddreg [dreg:$0x1];
	p0 =	sne.s32 s2, $0x0  }
0x4b: {  	s3 =	rddreg [dreg:$0x2];
	[bflag:$0x3] =	sbarrier.arrive $0xFFFF;
	s2 =	simm.s32 @!p0 $0x1C01  }
0x4c: {  	[timem:s3], [sflag:s2] =	dma.local @!p0 [hbm:s0], s1  }
0x4d: {  	s0 =	simm.s32 @!p0 $0x1  }
0x4e: {  	_ =	swait.ge @!p0 [sflag:s0], s1  }
0x4f: {  	s1 =	ssub.s32 @!p0 $0x0, s1;
	[sflag:s0] =	ssyncset.done @!p0 $0x0  }
0x50: {  	[sflag:s0] =	ssyncadd.s32 @!p0 s1  }
0x51: {  	[bflag:$0x3] =	sbarrier.arrive $0xFFFF  }
0x52: {  	_ =	shalt  }

// kernel: kernel.17.cloned.1.call-start
scs
__scs_entry_jumppad:
0x0: {  	(pc) =	sbr.rel $0x88, $3  }
0x1: {  	(tag) =	ssettag $0x0;
	lr =	simm.s32 $0x1  }
0x2: {  	[smem:$0x3F93] =	sst lr;
	_ =	strace $0xD0000000  }
0x3: {  	_ = 	snop  }
0x4: {  	_ = 	snop  }
0x5: {  	_ = 	snop  }
0x6: {  	_ = 	snop  }
0x7: {  	_ = 	snop  }
__scs_overlays_trampoline_lowered:
0x8: {  	[smem:$0x3FA2] =	sst s0  }
0x9: {  	[smem:$0x3FA3] =	sst s1  }
0xa: {  	[smem:$0x3FA4] =	sst s2  }
0xb: {  	[smem:$0x3FA5] =	sst s3  }
0xc: {  	[smem:$0x3FA6] =	sst s4  }
0xd: {  	[smem:$0x3FA7] =	sst s5  }
0xe: {  	[smem:$0x3FA8] =	sst s6  }
0xf: {  	[smem:$0x3FA9] =	sst s7  }
0x10: {  	[smem:$0x3FAA] =	sst s8  }
0x11: {  	[smem:$0x3FAB] =	sst s9;
	s0 =	simm.s32 @!p0 $0x0  }
0x12: {  	s1 =	sld [smem:$0x3F91];
	s0 =	simm.s32 @p0 $0x1  }
0x13: {  	[smem:$0x3FAC] =	sst s0;
	s0 =	simm.s32 @!p1 $0x0  }
0x14: {  	s2 =	sld [smem:$0x3F90];
	s0 =	simm.s32 @p1 $0x1  }
0x15: {  	[smem:$0x3FAD] =	sst s0;
	s0 =	simm.s32 @!p2 $0x0  }
0x16: {  	s3 =	sld [smem:$0x3FDB];
	s0 =	simm.s32 @p2 $0x1  }
0x17: {  	s4 =	simm.s32 $0x1BF5;
	[smem:$0x3FAF] =	sst s0  }
0x18: {  	s0 =	sld [smem:$0x3F92];
	_ =	swait.ge [sflag:s4], $0x0  }
0x19: {  	s7 =	sld [smem:$0x3F93]  }
0x1a: {  	s8 =	sadd.s32 $0xFFFFE003, lr  }
0x1b: {  	s9 =	sadd.s32 $0xFFFFFEF7, lr;
	s5 =	simm.s32 $0xFFFFFFFF;
	p2 =	slt.u32 s8, $0xFFFFF086  }
0x1c: {  	p1 =	slt.u32 s9, $0xF7A;
	s5 =	simm.s32 @!p2 $0x0  }
0x1d: {  	s5 =	simm.s32 @p1 $0x1;
	p0 =	seq.s32 s7, s2  }
0x1e: {  	s7 =	smul.u32 @!p0 $0xF7A, s2;
	p2 =	seq.s32 @!p0 s5, $0x0  }
0x1f: {  	s9 =	smul.u32 $0xF7A, s1;
	s8 =	simm.s32 @!p0 $0x1BF5;
	p2 =	por !p2, p0  }
0x20: {  	[sflag:s8] =	ssyncset.s32 @!p0 $0xFFFFF086;
	s6 =	sadd.s32 @!p0 s3, s7;
	s7 =	simm.s32 @!p0 $0x108  }
0x21: {  	s3 =	sadd.s32 s3, s9;
	s6 =	sadd.s32 @!p0 $0x88, s6;
	s7 =	simm.s32 @p2 $0x1082  }
0x22: {  	[simem:s7], [sflag:s8] =	dma.local @!p0 [hbm:s6], $0xF7A  }
0x23: {  	s9 =	sor.u32 $0xD0000000, s2;
	s6 =	simm.s32 $0x108;
	_ =	swait.ge @!p0 [sflag:s8], $0x0  }
0x24: {  	s3 =	sadd.s32 $0x88, s3;
	s6 =	simm.s32 @!p1 $0x1082;
	[sflag:s4] =	ssyncset.s32 $0xFFFFF086  }
0x25: {  	[simem:s6], [sflag:s4] =	dma.local [hbm:s3], $0xF7A  }
0x26: {  	[smem:$0x3F93] =	sst s1;
	(tag) =	ssettag s2;
	_ =	strace s9  }
0x27: {  	s1 =	sld [smem:$0x3FA3]  }
0x28: {  	s2 =	sld [smem:$0x3FA4]  }
0x29: {  	s4 =	sld [smem:$0x3FA6]  }
0x2a: {  	p0 =	seq.s32 s5, $0x0;
	s5 =	sld [smem:$0x3FA7]  }
0x2b: {  	s6 =	sld [smem:$0x3FA8]  }
0x2c: {  	s7 =	sld [smem:$0x3FA9]  }
0x2d: {  	s3 =	simm.s32 $0x108;
	s8 =	sld [smem:$0x3FAA]  }
0x2e: {  	s3 =	simm.s32 @!p0 $0x1082;
	s9 =	sld [smem:$0x3FAB]  }
0x2f: {  	lr =	sadd.s32 s0, s3;
	s0 =	sld [smem:$0x3FA2]  }
0x30: {  	s3 =	sld [smem:$0x3FA5]  }
0x31: {  	[smem:$0x3FAE] =	sst s10  }
0x32: {  	s10 =	sld [smem:$0x3FAC];
	_ =	sdelay $0x3  }
0x33: {  	p0 =	seq.s32 s10, $0x1;
	s10 =	sld [smem:$0x3FAE];
	_ =	sdelay $0x3  }
0x34: {  	[smem:$0x3FAE] =	sst s10  }
0x35: {  	s10 =	sld [smem:$0x3FAD];
	_ =	sdelay $0x3  }
0x36: {  	p1 =	seq.s32 s10, $0x1;
	s10 =	sld [smem:$0x3FAE];
	_ =	sdelay $0x3  }
0x37: {  	[smem:$0x3FAE] =	sst s10  }
0x38: {  	s10 =	sld [smem:$0x3FAF]  }
0x39: {  	_ = 	snop;
	(pc) =	sbr.ind lr, $3  }
0x3a: {  	_ = 	snop  }
0x3b: {  	_ = 	snop  }
0x3c: {  	p2 =	seq.s32 s10, $0x1;
	s10 =	sld [smem:$0x3FAE]  }
0x3d: {  	_ =	shalt  }
0x3e: {  	_ =	shalt  }
0x3f: {  	_ =	shalt  }
0x40: {  	_ =	shalt  }
0x41: {  	_ =	shalt  }
0x42: {  	_ =	shalt  }
0x43: {  	_ =	shalt  }
0x44: {  	_ =	shalt  }
0x45: {  	_ =	shalt  }
0x46: {  	_ =	shalt  }
0x47: {  	_ =	shalt  }
0x48: {  	_ =	shalt  }
0x49: {  	_ =	shalt  }
0x4a: {  	_ =	shalt  }
0x4b: {  	_ =	shalt  }
0x4c: {  	_ =	shalt  }
0x4d: {  	_ =	shalt  }
0x4e: {  	_ =	shalt  }
0x4f: {  	_ =	shalt  }
0x50: {  	_ =	shalt  }
0x51: {  	_ =	shalt  }
0x52: {  	_ =	shalt  }
0x53: {  	_ =	shalt  }
0x54: {  	_ =	shalt  }
0x55: {  	_ =	shalt  }
0x56: {  	_ =	shalt  }
0x57: {  	_ =	shalt  }
0x58: {  	_ =	shalt  }
0x59: {  	_ =	shalt  }
0x5a: {  	_ =	shalt  }
0x5b: {  	_ =	shalt  }
0x5c: {  	_ =	shalt  }
0x5d: {  	_ =	shalt  }
0x5e: {  	_ =	shalt  }
0x5f: {  	_ =	shalt  }
0x60: {  	_ =	shalt  }
0x61: {  	_ =	shalt  }
0x62: {  	_ =	shalt  }
0x63: {  	_ =	shalt  }
0x64: {  	_ =	shalt  }
0x65: {  	_ =	shalt  }
0x66: {  	_ =	shalt  }
0x67: {  	_ =	shalt  }
0x68: {  	_ =	shalt  }
0x69: {  	_ =	shalt  }
0x6a: {  	_ =	shalt  }
0x6b: {  	_ =	shalt  }
0x6c: {  	_ =	shalt  }
0x6d: {  	_ =	shalt  }
0x6e: {  	_ =	shalt  }
0x6f: {  	_ =	shalt  }
0x70: {  	_ =	shalt  }
0x71: {  	_ =	shalt  }
0x72: {  	_ =	shalt  }
0x73: {  	_ =	shalt  }
0x74: {  	_ =	shalt  }
0x75: {  	_ =	shalt  }
0x76: {  	_ =	shalt  }
0x77: {  	_ =	shalt  }
0x78: {  	_ =	shalt  }
0x79: {  	_ =	shalt  }
0x7a: {  	_ =	shalt  }
0x7b: {  	_ =	shalt  }
0x7c: {  	_ =	shalt  }
0x7d: {  	_ =	shalt  }
0x7e: {  	_ =	shalt  }
0x7f: {  	_ =	shalt  }
0x80: {  	_ =	shalt  }
0x81: {  	_ =	shalt  }
0x82: {  	_ =	shalt  }
0x83: {  	_ =	shalt  }
0x84: {  	_ =	shalt  }
0x85: {  	_ =	shalt  }
0x86: {  	_ =	shalt  }
0x87: {  	_ =	shalt  }
.Lfunc_end0:
.L_simem_size_0:
called_computation.3_lowered:
.L_overlay_start_0:
0x88: {  	s2 =	sld [smem:$0x3FD9]  }
0x89: {  	s3 =	sld [smem:$0x3FFE];
	_ =	sdelay $0x1  }
0x8a: {  	s1 =	srdreg.scid  }
0x8b: {  	s0 =	sand.u32 $0x1, s1  }
0x8c: {  	s17 =	sshll.u32 s0, $0xA;
	s2 =	sadd.s32 s3, s2  }
0x8d: {  	s2 =	sadd.s32 s2, s17  }
0x8e: {  	[smem:$0x3FBA] =	sst s2  }
0x8f: {  	_ = 	snop  }
0x90: {  	s18 =	sld [smem:$0x3FBD]  }
0x91: {  	s4 =	sld [smem:$0x3FD0];
	(tm) =	ssettm $0x1  }
0x92: {  	s19 =	sld [smem:$0x3FFB];
	_ =	sdelay $0x3  }
0x93: {  	_ =	strace s19  }
0x94: {  	s2 =	sld [smem:$0x3FFC];
	_ =	sdelay $0x3  }
0x95: {  	_ =	strace s2  }
0x96: {  	s2 =	sld [smem:$0x3FFD];
	_ =	sdelay $0x3  }
0x97: {  	_ =	strace s2  }
0x98: {  	_ =	strace $0x8FFFFFFF  }
0x99: {  	s20 =	sld [smem:$0x3FDB];
	_ =	sdelay $0x1  }
0x9a: {  	s5 =	simm.s32 $_scs_section_size  }
0x9b: {  	s6 =	simm.s32 $_size__tile_overlayer_lowered;
	s7 =	simm.s32 $_tile_overlayer_lowered  }
0x9c: {  	s8 =	simm.s32 $0x1BFF;
	s21 =	sshll.u32 s7, $0x1;
	s5 =	sadd.s32 s5, s20  }
0x9d: {  	s22 =	simm.s32 $0x0;
	s6 =	sshll.u32 s6, $0x1;
	s7 =	sadd.s32 s21, s5  }
0x9e: {  	[timem:s22], [sflag:s8] =	dma.local [hbm:s7], s6  }
0x9f: {  	_ =	swait.ge [sflag:s8], s6  }
0xa0: {  	s6 =	ssub.s32 $0x0, s6;
	[sflag:s8] =	ssyncset.done $0x0  }
0xa1: {  	[sflag:s8] =	ssyncadd.s32 s6;
	_ =	sdelay $0x1  }
0xa2: {  	s23 =	simm.s32 $0x1B8B  }
0xa3: {  	_ =	swait.ge [sflag:s23], $0x1  }
0xa4: {  	[sflag:s23] =	ssyncset.done $0x0  }
0xa5: {  	[sflag:s23] =	ssyncadd.s32 $0xFFFFFFFF  }
0xa6: {  	s6 =	sld [smem:$0x0]  }
0xa7: {  	s7 =	sand.u32 $0xFFFFFFFE, s1  }
0xa8: {  	p0 =	sne.s32 s1, s7  }
0xa9: {  	s7 =	sshll.u32 @p0 s7, $0xE  }
0xaa: {  	s7 =	sadd.s32 @p0 $0x11B8D, s7;
	s8 =	sshll.u32 @p0 s6, $0x11  }
0xab: {  	s7 =	sor.u32 @p0 s8, s7  }
0xac: {  	[sflag:s7] =	ssyncadd.remote.s32 @p0 $0x1;
	_ =	sdelay $0x1  }
0xad: {  	s7 =	simm.s32 @p0 $0x1B8D  }
0xae: {  	_ =	swait.eq @p0 [sflag:s7], $0x1  }
0xaf: {  	[sflag:s7] =	ssyncadd.s32 @p0 $0xFFFFFFFF  }
0xb0: {  	s8 =	sshll.u32 @!p0 s1, $0xE  }
0xb1: {  	s8 =	sor.u32 @!p0 $0x4000, s8;
	s7 =	simm.s32 @!p0 $0x1B8D  }
0xb2: {  	s6 =	sshll.u32 @!p0 s6, $0x11;
	s8 =	sadd.s32 @!p0 $0x11B8D, s8;
	_ =	swait.eq @!p0 [sflag:s7], $0x1  }
0xb3: {  	s6 =	sor.u32 @!p0 s6, s8;
	[sflag:s7] =	ssyncadd.s32 @!p0 $0xFFFFFFFF  }
0xb4: {  	s25 =	simm.s32 $0x1B8E;
	s24 =	sld [smem:$0x3FFE];
	[sflag:s6] =	ssyncadd.remote.s32 @!p0 $0x1  }
0xb5: {  	s26 =	simm.s32 $execute0_lowered;
	[smem:$0x3FD2] =	sst s25  }
0xb6: {  	s7 =	sshll.u32 s26, $0x1;
	_ =	strace $0x8000004F;
	[dreg:$0x1] =	wrdreg $0xFFFFFFFF  }
0xb7: {  	s28 =	simm.s32 $_size_execute0_lowered;
	s5 =	sadd.s32 s5, s7;
	[dreg:$0x0] =	wrdreg $0x0  }
0xb8: {  	s7 =	sshll.u32 s28, $0x1;
	[dreg:$0x2] =	wrdreg s5  }
0xb9: {  	[dreg:$0x3] =	wrdreg s7  }
0xba: {  	[dreg:$0x4] =	wrdreg $0xC0  }
0xbb: {  	_ =	task [dreg:s22], $0x5FFFF  }
0xbc: {  	[dreg:$0x1] =	wrdreg $0xFFFFFFFF  }
0xbd: {  	[dreg:$0x0] =	wrdreg $0x60  }
0xbe: {  	[dreg:$0x2] =	wrdreg s24  }
0xbf: {  	[dreg:$0x3] =	wrdreg s18  }
0xc0: {  	[dreg:$0x4] =	wrdreg s4  }
0xc1: {  	[dreg:$0x5] =	wrdreg $0x28800  }
0xc2: {  	[dreg:$0x6] =	wrdreg $0xA  }
0xc3: {  	_ =	task.clear_ibuf [dreg:s22], $0x7FFFF;
	_ =	strace $0x9000004F  }
0xc4: {  	s29 =	simm.s32 $0xA;
	_ =	strace $0x80000051  }
0xc5: {  	_ =	swait.ge [sflag:s29], $0x1  }
0xc6: {  	[sflag:s29] =	ssyncadd.s32 $0xFFFFFFFF  }
0xc7: {  	_ =	strace $0x90000051  }
0xc8: {  	_ =	sfence  }
0xc9: {  	s30 =	sld [smem:$0x0];
	_ =	sdelay $0x2  }
0xca: {  	s31 =	sshll.u32 s1, $0xD;
	s1 =	sshrl.u32 s1, $0x2  }
0xcb: {  	s4 =	sand.u32 $0x4000, s31;
	s1 =	sadd.s32 s1, s30  }
0xcc: {  	s0 =	sor.u32 s4, s0;
	s1 =	sshll.u32 s1, $0x11  }
0xcd: {  	s0 =	sor.u32 s1, s0  }
0xce: {  	s0 =	sadd.s32 $0x8F2B, s0  }
0xcf: {  	[sflag:s0] =	ssyncadd.remote.s32 $0x1  }
0xd0: {  	_ =	sfence.sel $0xFFFF  }
0xd1: {  	[dreg:$0x0] =	wrdreg $0xFFFFFFFF;
	(pc) =	sbr.abs _section_cstart, $3  }
0xd2: {  	[dreg:$0x1] =	wrdreg $0xFFFFFFFF  }
0xd3: {  	_ =	task.clear_ibuf [dreg:s22], $0x2FFFF;
	_ =	strace $0x9FFFFFFF  }
0xd4: {  	(tm) =	ssettm $0x7FFFFFFF  }
0xd5: {  	_ =	shalt  }
tec
execute0_lowered:
.L_overlay_start_1:
0x0: {  	(tag) =	ssettag $0x1  }
0x1: {  	s5 =	rddreg [dreg:$0x0]  }
0x2: {  	s7 =	rddreg [dreg:$0x1]  }
0x3: {  	s1 =	rddreg [dreg:$0x2]  }
0x4: {  	s2 =	rddreg [dreg:$0x3];
	s12 =	stileid.u32  }
0x5: {  	s0 =	rddreg [dreg:$0x4];
	s3 =	simm.s32 $0x0;
	s6 =	smul.u32 $0x4E200, s12  }
0x6: {  	s4 =	srdreg.scid;
	s13 =	simm.s32 $0x78A00;
	s9 =	smul.u32 $0x7D000, s12  }
0x7: {  	[smem:$0x7FF] =	sst s3;
	s4 =	sand.u32 $0x1, s4;
	s11 =	smul.u32 $0x3E80, s12  }
0x8: {  	s29 =	smul.u32 $0x4E20, s12;
	p1 =	sgt.u32 s12, $0x9;
	_ =	strace $0x80000050  }
0x9: {  	s8 =	ssub.s32 $0x2, s4;
	p0 =	seq.s32 s4, $0x1;
	s14 =	smul.u32 $0x2710, s4  }
0xa: {  	s30 =	smul.u32 $0x27100, s4;
	s6 =	sadd.s32 s6, s5;
	s10 =	sshrl.u32 s8, $0x1  }
0xb: {  	s9 =	sshrl.u32 s9, $0x2;
	s13 =	simm.s32 @!p0 $0x51800;
	p0 =	sne.s32 s12, $0x0  }
0xc: {  	s12 =	sshll.u32 @!p1 s12, $0x6;
	s8 =	ssub.s32 s8, s10;
	s15 =	sadd.s32 s9, s2  }
0xd: {  	s5 =	sadd.s32 s13, s5;
	s31 =	sadd.s32 s14, s29;
	s6 =	sadd.s32 s30, s6  }
0xe: {  	s9 =	simm.s32 $0x1;
	s10 =	simm.s32 $0x80;
	s12 =	sor.u32 @!p1 $0x1C01, s12  }
0xf: {  	s14 =	simm.s32 $0x0;
	s4 =	smax.u32 s8, $0x1;
	s5 =	sadd.s32 s5, s11  }
0x10: {  	s8 =	sshrl.u32 s31, $0x3;
	s6 =	sadd.s32 $0x186D600, s6;
	s11 =	simm.s32 $0x50  }
0x11: {  	s13 =	sshrl.u32 @!p1 s15, $0x3;
	s7 =	sadd.s32 s8, s7;
	s8 =	sshrl.u32 @!p0 s2, $0x3  }
.LBB2_1:
0x12: {  	s15 =	simm.s32 @!p0 $0x1C01  }
0x13: {  	[spmem:s8], [sflag:s15] =	dma.local @!p0 [hbm:s1], $0x27100  }
0x14: {  	s15 =	simm.s32 @!p0 $0x1  }
0x15: {  	_ =	swait.ge @!p0 [sflag:s15], $0x27100  }
0x16: {  	[sflag:s15] =	ssyncset.done @!p0 $0x0  }
0x17: {  	[sflag:s15] =	ssyncadd.s32 @!p0 $0xFFFD8F00  }
0x18: {  	s31 =	sadd.s32 $0x0, s7;
	[bflag:$0x0] =	sbarrier.arrive $0xFFFF  }
0x19: {  	[tilespmem:s3], [sflag:$0x1] =	stream.linear.gather [hbm4b:s31+s3], $0x50, $0x38;
	[tilespmem:$0x16100] =	vst v63  }
0x1a: {  	_ =	swait.ge [sflag:s9], $0x50  }
0x1b: {  	[sflag:s9] =	ssyncset.done $0x0  }
0x1c: {  	[sflag:s9] =	ssyncadd.s32 $0xFFFFFFB0  }
0x1d: {  	[tilespmem:s10], [sflag:$0x1] =	stream.linear.gather [hbm4b:s6+s3], $0x2800, $0x38;
	[tilespmem:$0x16100] =	vst v63  }
0x1e: {  	_ =	swait.ge [sflag:s9], $0x2800  }
0x1f: {  	[sflag:s9] =	ssyncset.done $0x0  }
0x20: {  	[sflag:s9] =	ssyncadd.s32 $0xFFFFD800  }
0x21: {  	[spmem:s2] =	stream.indirect.scatter.add.f32 [tilespmem:s10], [sflag:$0x1], $0x80, s3, s11, $0xb8;
	[tilespmem:$0x16100] =	vst v63  }
0x22: {  	s16 =	simm.s32 $0xA;
	_ =	swait.ge [sflag:s9], $0x2800  }
0x23: {  	s17 =	simm.s32 $0x14;
	s15 =	sadd.s32 $0x500, s6;
	[sflag:s9] =	ssyncset.done $0x0  }
.LBB2_2:
0x24: {  	s18 =	sadd.s32 s16, s7  }
0x25: {  	[sflag:s9] =	ssyncadd.s32 $0xFFFFD800;
	s16 =	smov.u32 s17;
	s19 =	sadd.s32 $0xA, s17  }
0x26: {  	[tilespmem:s3], [sflag:$0x1] =	stream.linear.gather [hbm4b:s18+s3], $0x50, $0x38;
	[tilespmem:$0x16100] =	vst v63  }
0x27: {  	p2 =	sne.s32 s17, $0x4D8;
	_ =	swait.ge [sflag:s9], $0x50  }
0x28: {  	[sflag:s9] =	ssyncset.done $0x0  }
0x29: {  	[sflag:s9] =	ssyncadd.s32 $0xFFFFFFB0  }
0x2a: {  	[tilespmem:s10], [sflag:$0x1] =	stream.linear.gather [hbm4b:s15+s3], $0x2800, $0x38;
	[tilespmem:$0x16100] =	vst v63  }
0x2b: {  	_ =	swait.ge [sflag:s9], $0x2800  }
.Ltmp0:
0x2c: {  	[sflag:s9] =	ssyncset.done $0x0;
	(pc) =	sbr.rel @p2 .LBB2_2-.Ltmp0, $4  }
0x2d: {  	[sflag:s9] =	ssyncadd.s32 $0xFFFFD800  }
0x2e: {  	[spmem:s2] =	stream.indirect.scatter.add.f32 [tilespmem:s10], [sflag:$0x1], $0x80, s3, s11, $0xb8;
	[tilespmem:$0x16100] =	vst v63  }
0x2f: {  	_ =	swait.ge [sflag:s9], $0x2800  }
0x30: {  	s17 =	smov.u32 s19;
	s15 =	sadd.s32 $0x500, s15;
	[sflag:s9] =	ssyncset.done $0x0  }
0x31: {  	s16 =	sadd.s32 s16, s7;
	[sflag:s9] =	ssyncadd.s32 $0xFFFFD800  }
0x32: {  	[tilespmem:s3], [sflag:$0x1] =	stream.linear.gather [hbm4b:s16+s3], $0x50, $0x38;
	[tilespmem:$0x16100] =	vst v63  }
0x33: {  	_ =	swait.ge [sflag:s9], $0x50  }
0x34: {  	[sflag:s9] =	ssyncset.done $0x0  }
0x35: {  	[sflag:s9] =	ssyncadd.s32 $0xFFFFFFB0  }
0x36: {  	[tilespmem:s10], [sflag:$0x1] =	stream.linear.gather [hbm4b:s15+s3], $0x2800, $0x38;
	[tilespmem:$0x16100] =	vst v63  }
0x37: {  	_ =	swait.ge [sflag:s9], $0x2800  }
0x38: {  	[sflag:s9] =	ssyncset.done $0x0  }
0x39: {  	[sflag:s9] =	ssyncadd.s32 $0xFFFFD800  }
0x3a: {  	[spmem:s2] =	stream.indirect.scatter.add.f32 [tilespmem:s10], [sflag:$0x1], $0x80, s3, s11, $0xb8;
	[tilespmem:$0x16100] =	vst v63  }
0x3b: {  	_ =	swait.ge [sflag:s9], $0x2800  }
0x3c: {  	s14 =	sadd.s32 $0x1, s14;
	[sflag:s9] =	ssyncset.done $0x0  }
0x3d: {  	p2 =	sne.s32 s14, s4;
	[sflag:s9] =	ssyncadd.s32 $0xFFFFD800  }
.Ltmp1:
0x3e: {  	s15 =	simm.s32 @!p1 $0x1;
	[bflag:$0x0] =	sbarrier.arrive $0xFFFF;
	(pc) =	sbr.rel @p2 .LBB2_1-.Ltmp1, $4  }
0x3f: {  	[hbm:s5], [sflag:s12] =	dma.local @!p1 [spmem:s13], $0x3E80  }
0x40: {  	_ =	swait.ge @!p1 [sflag:s15], $0x3E80  }
0x41: {  	[sflag:s15] =	ssyncset.done @!p1 $0x0  }
0x42: {  	[sflag:s15] =	ssyncadd.s32 @!p1 $0xFFFFC180  }
0x43: {  	_ =	sfence.sel $0x180000  }
0x44: {  	[bflag:$0x0] =	sbarrier.arrive $0xFFFF  }
0x45: {  	_ =	strace $0x90000050  }
0x46: {  	s0 =	sadd.s32 @!p0 $0x100000, s0;
	[bflag:$0x2] =	sbarrier.arrive $0xFFFF  }
0x47: {  	[sflag:s0] =	ssyncadd.tile.s32 @!p0 $0x1;
	_ =	shalt  }
.Lfunc_end2:
_tile_overlayer_lowered:
.L_overlay_start_2:
0x48: {  	(tag) =	ssettag $0x2  }
0x49: {  	s0 =	rddreg [dreg:$0x0];
	s2 =	stileid.u32  }
0x4a: {  	s1 =	rddreg [dreg:$0x1];
	p0 =	sne.s32 s2, $0x0  }
0x4b: {  	s3 =	rddreg [dreg:$0x2];
	[bflag:$0x3] =	sbarrier.arrive $0xFFFF;
	s2 =	simm.s32 @!p0 $0x1C01  }
0x4c: {  	[timem:s3], [sflag:s2] =	dma.local @!p0 [hbm:s0], s1  }
0x4d: {  	s0 =	simm.s32 @!p0 $0x1  }
0x4e: {  	_ =	swait.ge @!p0 [sflag:s0], s1  }
0x4f: {  	s1 =	ssub.s32 @!p0 $0x0, s1;
	[sflag:s0] =	ssyncset.done @!p0 $0x0  }
0x50: {  	[sflag:s0] =	ssyncadd.s32 @!p0 s1  }
0x51: {  	[bflag:$0x3] =	sbarrier.arrive $0xFFFF  }
0x52: {  	_ =	shalt  }

// kernel: kernel.8.cloned.1.call-start
scs
__scs_entry_jumppad:
0x0: {  	(pc) =	sbr.rel $0x88, $3  }
0x1: {  	(tag) =	ssettag $0x0;
	lr =	simm.s32 $0x1  }
0x2: {  	[smem:$0x3F93] =	sst lr;
	_ =	strace $0xD0000000  }
0x3: {  	_ = 	snop  }
0x4: {  	_ = 	snop  }
0x5: {  	_ = 	snop  }
0x6: {  	_ = 	snop  }
0x7: {  	_ = 	snop  }
__scs_overlays_trampoline_lowered:
0x8: {  	[smem:$0x3FA2] =	sst s0  }
0x9: {  	[smem:$0x3FA3] =	sst s1  }
0xa: {  	[smem:$0x3FA4] =	sst s2  }
0xb: {  	[smem:$0x3FA5] =	sst s3  }
0xc: {  	[smem:$0x3FA6] =	sst s4  }
0xd: {  	[smem:$0x3FA7] =	sst s5  }
0xe: {  	[smem:$0x3FA8] =	sst s6  }
0xf: {  	[smem:$0x3FA9] =	sst s7  }
0x10: {  	[smem:$0x3FAA] =	sst s8  }
0x11: {  	[smem:$0x3FAB] =	sst s9;
	s0 =	simm.s32 @!p0 $0x0  }
0x12: {  	s1 =	sld [smem:$0x3F91];
	s0 =	simm.s32 @p0 $0x1  }
0x13: {  	[smem:$0x3FAC] =	sst s0;
	s0 =	simm.s32 @!p1 $0x0  }
0x14: {  	s2 =	sld [smem:$0x3F90];
	s0 =	simm.s32 @p1 $0x1  }
0x15: {  	[smem:$0x3FAD] =	sst s0;
	s0 =	simm.s32 @!p2 $0x0  }
0x16: {  	s3 =	sld [smem:$0x3FDB];
	s0 =	simm.s32 @p2 $0x1  }
0x17: {  	s4 =	simm.s32 $0x1BF5;
	[smem:$0x3FAF] =	sst s0  }
0x18: {  	s0 =	sld [smem:$0x3F92];
	_ =	swait.ge [sflag:s4], $0x0  }
0x19: {  	s7 =	sld [smem:$0x3F93]  }
0x1a: {  	s8 =	sadd.s32 $0xFFFFE003, lr  }
0x1b: {  	s9 =	sadd.s32 $0xFFFFFEF7, lr;
	s5 =	simm.s32 $0xFFFFFFFF;
	p2 =	slt.u32 s8, $0xFFFFF086  }
0x1c: {  	p1 =	slt.u32 s9, $0xF7A;
	s5 =	simm.s32 @!p2 $0x0  }
0x1d: {  	s5 =	simm.s32 @p1 $0x1;
	p0 =	seq.s32 s7, s2  }
0x1e: {  	s7 =	smul.u32 @!p0 $0xF7A, s2;
	p2 =	seq.s32 @!p0 s5, $0x0  }
0x1f: {  	s9 =	smul.u32 $0xF7A, s1;
	s8 =	simm.s32 @!p0 $0x1BF5;
	p2 =	por !p2, p0  }
0x20: {  	[sflag:s8] =	ssyncset.s32 @!p0 $0xFFFFF086;
	s6 =	sadd.s32 @!p0 s3, s7;
	s7 =	simm.s32 @!p0 $0x108  }
0x21: {  	s3 =	sadd.s32 s3, s9;
	s6 =	sadd.s32 @!p0 $0x88, s6;
	s7 =	simm.s32 @p2 $0x1082  }
0x22: {  	[simem:s7], [sflag:s8] =	dma.local @!p0 [hbm:s6], $0xF7A  }
0x23: {  	s9 =	sor.u32 $0xD0000000, s2;
	s6 =	simm.s32 $0x108;
	_ =	swait.ge @!p0 [sflag:s8], $0x0  }
0x24: {  	s3 =	sadd.s32 $0x88, s3;
	s6 =	simm.s32 @!p1 $0x1082;
	[sflag:s4] =	ssyncset.s32 $0xFFFFF086  }
0x25: {  	[simem:s6], [sflag:s4] =	dma.local [hbm:s3], $0xF7A  }
0x26: {  	[smem:$0x3F93] =	sst s1;
	(tag) =	ssettag s2;
	_ =	strace s9  }
0x27: {  	s1 =	sld [smem:$0x3FA3]  }
0x28: {  	s2 =	sld [smem:$0x3FA4]  }
0x29: {  	s4 =	sld [smem:$0x3FA6]  }
0x2a: {  	p0 =	seq.s32 s5, $0x0;
	s5 =	sld [smem:$0x3FA7]  }
0x2b: {  	s6 =	sld [smem:$0x3FA8]  }
0x2c: {  	s7 =	sld [smem:$0x3FA9]  }
0x2d: {  	s3 =	simm.s32 $0x108;
	s8 =	sld [smem:$0x3FAA]  }
0x2e: {  	s3 =	simm.s32 @!p0 $0x1082;
	s9 =	sld [smem:$0x3FAB]  }
0x2f: {  	lr =	sadd.s32 s0, s3;
	s0 =	sld [smem:$0x3FA2]  }
0x30: {  	s3 =	sld [smem:$0x3FA5]  }
0x31: {  	[smem:$0x3FAE] =	sst s10  }
0x32: {  	s10 =	sld [smem:$0x3FAC];
	_ =	sdelay $0x3  }
0x33: {  	p0 =	seq.s32 s10, $0x1;
	s10 =	sld [smem:$0x3FAE];
	_ =	sdelay $0x3  }
0x34: {  	[smem:$0x3FAE] =	sst s10  }
0x35: {  	s10 =	sld [smem:$0x3FAD];
	_ =	sdelay $0x3  }
0x36: {  	p1 =	seq.s32 s10, $0x1;
	s10 =	sld [smem:$0x3FAE];
	_ =	sdelay $0x3  }
0x37: {  	[smem:$0x3FAE] =	sst s10  }
0x38: {  	s10 =	sld [smem:$0x3FAF]  }
0x39: {  	_ = 	snop;
	(pc) =	sbr.ind lr, $3  }
0x3a: {  	_ = 	snop  }
0x3b: {  	_ = 	snop  }
0x3c: {  	p2 =	seq.s32 s10, $0x1;
	s10 =	sld [smem:$0x3FAE]  }
0x3d: {  	_ =	shalt  }
0x3e: {  	_ =	shalt  }
0x3f: {  	_ =	shalt  }
0x40: {  	_ =	shalt  }
0x41: {  	_ =	shalt  }
0x42: {  	_ =	shalt  }
0x43: {  	_ =	shalt  }
0x44: {  	_ =	shalt  }
0x45: {  	_ =	shalt  }
0x46: {  	_ =	shalt  }
0x47: {  	_ =	shalt  }
0x48: {  	_ =	shalt  }
0x49: {  	_ =	shalt  }
0x4a: {  	_ =	shalt  }
0x4b: {  	_ =	shalt  }
0x4c: {  	_ =	shalt  }
0x4d: {  	_ =	shalt  }
0x4e: {  	_ =	shalt  }
0x4f: {  	_ =	shalt  }
0x50: {  	_ =	shalt  }
0x51: {  	_ =	shalt  }
0x52: {  	_ =	shalt  }
0x53: {  	_ =	shalt  }
0x54: {  	_ =	shalt  }
0x55: {  	_ =	shalt  }
0x56: {  	_ =	shalt  }
0x57: {  	_ =	shalt  }
0x58: {  	_ =	shalt  }
0x59: {  	_ =	shalt  }
0x5a: {  	_ =	shalt  }
0x5b: {  	_ =	shalt  }
0x5c: {  	_ =	shalt  }
0x5d: {  	_ =	shalt  }
0x5e: {  	_ =	shalt  }
0x5f: {  	_ =	shalt  }
0x60: {  	_ =	shalt  }
0x61: {  	_ =	shalt  }
0x62: {  	_ =	shalt  }
0x63: {  	_ =	shalt  }
0x64: {  	_ =	shalt  }
0x65: {  	_ =	shalt  }
0x66: {  	_ =	shalt  }
0x67: {  	_ =	shalt  }
0x68: {  	_ =	shalt  }
0x69: {  	_ =	shalt  }
0x6a: {  	_ =	shalt  }
0x6b: {  	_ =	shalt  }
0x6c: {  	_ =	shalt  }
0x6d: {  	_ =	shalt  }
0x6e: {  	_ =	shalt  }
0x6f: {  	_ =	shalt  }
0x70: {  	_ =	shalt  }
0x71: {  	_ =	shalt  }
0x72: {  	_ =	shalt  }
0x73: {  	_ =	shalt  }
0x74: {  	_ =	shalt  }
0x75: {  	_ =	shalt  }
0x76: {  	_ =	shalt  }
0x77: {  	_ =	shalt  }
0x78: {  	_ =	shalt  }
0x79: {  	_ =	shalt  }
0x7a: {  	_ =	shalt  }
0x7b: {  	_ =	shalt  }
0x7c: {  	_ =	shalt  }
0x7d: {  	_ =	shalt  }
0x7e: {  	_ =	shalt  }
0x7f: {  	_ =	shalt  }
0x80: {  	_ =	shalt  }
0x81: {  	_ =	shalt  }
0x82: {  	_ =	shalt  }
0x83: {  	_ =	shalt  }
0x84: {  	_ =	shalt  }
0x85: {  	_ =	shalt  }
0x86: {  	_ =	shalt  }
0x87: {  	_ =	shalt  }
.Lfunc_end0:
.L_simem_size_0:
called_computation_lowered:
.L_overlay_start_0:
0x88: {  	s2 =	sld [smem:$0x3FD9]  }
0x89: {  	s3 =	sld [smem:$0x3FFE];
	_ =	sdelay $0x1  }
0x8a: {  	s1 =	srdreg.scid  }
0x8b: {  	s0 =	sand.u32 $0x1, s1  }
0x8c: {  	s17 =	sshll.u32 s0, $0xA;
	s2 =	sadd.s32 s3, s2  }
0x8d: {  	s2 =	sadd.s32 s2, s17  }
0x8e: {  	[smem:$0x3FBA] =	sst s2  }
0x8f: {  	_ = 	snop  }
0x90: {  	s18 =	sld [smem:$0x3FC9]  }
0x91: {  	s4 =	sld [smem:$0x3FBD];
	(tm) =	ssettm $0x1  }
0x92: {  	s19 =	sld [smem:$0x3FFB];
	_ =	sdelay $0x3  }
0x93: {  	_ =	strace s19  }
0x94: {  	s2 =	sld [smem:$0x3FFC];
	_ =	sdelay $0x3  }
0x95: {  	_ =	strace s2  }
0x96: {  	s2 =	sld [smem:$0x3FFD];
	_ =	sdelay $0x3  }
0x97: {  	_ =	strace s2  }
0x98: {  	_ =	strace $0x8FFFFFFF  }
0x99: {  	s20 =	sld [smem:$0x3FDB];
	_ =	sdelay $0x1  }
0x9a: {  	s5 =	simm.s32 $_scs_section_size  }
0x9b: {  	s6 =	simm.s32 $_size__tile_overlayer_lowered;
	s7 =	simm.s32 $_tile_overlayer_lowered  }
0x9c: {  	s8 =	simm.s32 $0x1BFF;
	s21 =	sshll.u32 s7, $0x1;
	s5 =	sadd.s32 s5, s20  }
0x9d: {  	s22 =	simm.s32 $0x0;
	s6 =	sshll.u32 s6, $0x1;
	s7 =	sadd.s32 s21, s5  }
0x9e: {  	[timem:s22], [sflag:s8] =	dma.local [hbm:s7], s6  }
0x9f: {  	_ =	swait.ge [sflag:s8], s6  }
0xa0: {  	s6 =	ssub.s32 $0x0, s6;
	[sflag:s8] =	ssyncset.done $0x0  }
0xa1: {  	[sflag:s8] =	ssyncadd.s32 s6;
	_ =	sdelay $0x1  }
0xa2: {  	s23 =	simm.s32 $0x1B8B  }
0xa3: {  	_ =	swait.ge [sflag:s23], $0x1  }
0xa4: {  	[sflag:s23] =	ssyncset.done $0x0  }
0xa5: {  	[sflag:s23] =	ssyncadd.s32 $0xFFFFFFFF  }
0xa6: {  	s6 =	sld [smem:$0x0]  }
0xa7: {  	s7 =	sand.u32 $0xFFFFFFFE, s1  }
0xa8: {  	p0 =	sne.s32 s1, s7  }
0xa9: {  	s7 =	sshll.u32 @p0 s7, $0xE  }
0xaa: {  	s7 =	sadd.s32 @p0 $0x11B8D, s7;
	s8 =	sshll.u32 @p0 s6, $0x11  }
0xab: {  	s7 =	sor.u32 @p0 s8, s7  }
0xac: {  	[sflag:s7] =	ssyncadd.remote.s32 @p0 $0x1;
	_ =	sdelay $0x1  }
0xad: {  	s7 =	simm.s32 @p0 $0x1B8D  }
0xae: {  	_ =	swait.eq @p0 [sflag:s7], $0x1  }
0xaf: {  	[sflag:s7] =	ssyncadd.s32 @p0 $0xFFFFFFFF  }
0xb0: {  	s8 =	sshll.u32 @!p0 s1, $0xE  }
0xb1: {  	s8 =	sor.u32 @!p0 $0x4000, s8;
	s7 =	simm.s32 @!p0 $0x1B8D  }
0xb2: {  	s6 =	sshll.u32 @!p0 s6, $0x11;
	s8 =	sadd.s32 @!p0 $0x11B8D, s8;
	_ =	swait.eq @!p0 [sflag:s7], $0x1  }
0xb3: {  	s6 =	sor.u32 @!p0 s6, s8;
	[sflag:s7] =	ssyncadd.s32 @!p0 $0xFFFFFFFF  }
0xb4: {  	s25 =	simm.s32 $0x1B8E;
	s24 =	sld [smem:$0x3FFE];
	[sflag:s6] =	ssyncadd.remote.s32 @!p0 $0x1  }
0xb5: {  	s26 =	simm.s32 $execute0_lowered;
	[smem:$0x3FD2] =	sst s25  }
0xb6: {  	s7 =	sshll.u32 s26, $0x1;
	_ =	strace $0x80000049;
	[dreg:$0x1] =	wrdreg $0xFFFFFFFF  }
0xb7: {  	s28 =	simm.s32 $_size_execute0_lowered;
	s5 =	sadd.s32 s5, s7;
	[dreg:$0x0] =	wrdreg $0x0  }
0xb8: {  	s7 =	sshll.u32 s28, $0x1;
	[dreg:$0x2] =	wrdreg s5  }
0xb9: {  	[dreg:$0x3] =	wrdreg s7  }
0xba: {  	[dreg:$0x4] =	wrdreg $0xC0  }
0xbb: {  	_ =	task [dreg:s22], $0x5FFFF  }
0xbc: {  	[dreg:$0x1] =	wrdreg $0xFFFFFFFF  }
0xbd: {  	[dreg:$0x0] =	wrdreg $0x60  }
0xbe: {  	[dreg:$0x2] =	wrdreg s18  }
0xbf: {  	[dreg:$0x3] =	wrdreg s4  }
0xc0: {  	[dreg:$0x4] =	wrdreg s24  }
0xc1: {  	[dreg:$0x5] =	wrdreg $0x9  }
0xc2: {  	_ =	task.clear_ibuf [dreg:s22], $0x6FFFF;
	_ =	strace $0x90000049  }
0xc3: {  	s29 =	simm.s32 $0x9;
	_ =	strace $0x8000004B  }
0xc4: {  	_ =	swait.ge [sflag:s29], $0x1  }
0xc5: {  	[sflag:s29] =	ssyncadd.s32 $0xFFFFFFFF  }
0xc6: {  	_ =	strace $0x9000004B  }
0xc7: {  	_ =	sfence  }
0xc8: {  	s30 =	sld [smem:$0x0];
	_ =	sdelay $0x2  }
0xc9: {  	s31 =	sshll.u32 s1, $0xD;
	s1 =	sshrl.u32 s1, $0x2  }
0xca: {  	s4 =	sand.u32 $0x4000, s31;
	s1 =	sadd.s32 s1, s30  }
0xcb: {  	s0 =	sor.u32 s4, s0;
	s1 =	sshll.u32 s1, $0x11  }
0xcc: {  	s0 =	sor.u32 s1, s0  }
0xcd: {  	s0 =	sadd.s32 $0x8F2B, s0  }
0xce: {  	[sflag:s0] =	ssyncadd.remote.s32 $0x1  }
0xcf: {  	_ =	sfence.sel $0xFFFF  }
0xd0: {  	[dreg:$0x0] =	wrdreg $0xFFFFFFFF;
	(pc) =	sbr.abs _section_cstart, $3  }
0xd1: {  	[dreg:$0x1] =	wrdreg $0xFFFFFFFF  }
0xd2: {  	_ =	task.clear_ibuf [dreg:s22], $0x2FFFF;
	_ =	strace $0x9FFFFFFF  }
0xd3: {  	(tm) =	ssettm $0x7FFFFFFF  }
tec
execute0_lowered:
.L_overlay_start_1:
0x0: {  	(tag) =	ssettag $0x1  }
0x1: {  	s1 =	rddreg [dreg:$0x0]  }
0x2: {  	s0 =	stileid.u32;
	s6 =	rddreg [dreg:$0x1]  }
0x3: {  	s2 =	srdreg.scid;
	s7 =	rddreg [dreg:$0x2]  }
0x4: {  	s3 =	simm.s32 $0x0;
	s11 =	simm.s32 $0x0;
	s4 =	smul.u32 $0x4E200, s0  }
0x5: {  	s5 =	sand.u32 $0x1, s2;
	s2 =	rddreg [dreg:$0x3];
	s9 =	smul.u32 $0x4E20, s0  }
0x6: {  	[smem:$0x7FF] =	sst s3;
	s8 =	smul.u32 $0x27100, s5;
	s10 =	ssub.s32 $0x2, s5  }
0x7: {  	s5 =	smul.u32 $0x2710, s5;
	s4 =	sadd.s32 s4, s7;
	s30 =	sshrl.u32 s10, $0x1  }
0x8: {  	_ =	strace $0x8000004A;
	s7 =	ssub.s32 s10, s30;
	s8 =	sadd.s32 s8, s4  }
0x9: {  	s9 =	sadd.s32 s5, s9;
	s10 =	simm.s32 $0x1;
	s4 =	smax.u32 s7, $0x1  }
0xa: {  	s5 =	sadd.s32 $0x4E5400, s8;
	s31 =	sshrl.u32 s9, $0x3;
	s7 =	simm.s32 $0x2  }
0xb: {  	s8 =	simm.s32 $0x50;
	s9 =	simm.s32 $0x80;
	s6 =	sadd.s32 s31, s6  }
.LBB2_1:
0xc: {  	s12 =	sadd.s32 $0x0, s6  }
0xd: {  	[tilespmem:s3], [sflag:$0x2] =	stream.linear.gather [hbm4b:s12+s3], $0x50, $0x38;
	[tilespmem:$0x2880] =	vst v63  }
0xe: {  	_ =	swait.ge [sflag:s7], $0x50  }
0xf: {  	[sflag:s7] =	ssyncset.done $0x0  }
0x10: {  	[sflag:s7] =	ssyncadd.s32 $0xFFFFFFB0  }
0x11: {  	[tilespmem:s9], [sflag:$0x1] =	stream.indirect.gather [hbm4b:s1+s8], $0x80, s3, s8, $0xb8;
	[tilespmem:$0x2880] =	vst v63  }
0x12: {  	_ =	swait.ge [sflag:s10], $0x2800  }
0x13: {  	[sflag:s10] =	ssyncset.done $0x0  }
0x14: {  	[sflag:s10] =	ssyncadd.s32 $0xFFFFD800  }
0x15: {  	[hbm4b:s5+s3] =	stream.linear.scatter [tilespmem:s9], [sflag:$0x2], $0x2800, $0x38;
	[tilespmem:$0x2880] =	vst v63  }
0x16: {  	s13 =	simm.s32 $0xA;
	_ =	swait.ge [sflag:s7], $0x2800  }
0x17: {  	s14 =	simm.s32 $0x14;
	s12 =	sadd.s32 $0x500, s5;
	[sflag:s7] =	ssyncset.done $0x0  }
.LBB2_2:
0x18: {  	s15 =	sadd.s32 s13, s6  }
0x19: {  	[sflag:s7] =	ssyncadd.s32 $0xFFFFD800;
	s13 =	smov.u32 s14;
	s16 =	sadd.s32 $0xA, s14  }
0x1a: {  	[tilespmem:s3], [sflag:$0x2] =	stream.linear.gather [hbm4b:s15+s3], $0x50, $0x38;
	[tilespmem:$0x2880] =	vst v63  }
0x1b: {  	p0 =	sne.s32 s14, $0x4D8;
	_ =	swait.ge [sflag:s7], $0x50  }
0x1c: {  	[sflag:s7] =	ssyncset.done $0x0  }
0x1d: {  	[sflag:s7] =	ssyncadd.s32 $0xFFFFFFB0  }
0x1e: {  	[tilespmem:s9], [sflag:$0x1] =	stream.indirect.gather [hbm4b:s1+s8], $0x80, s3, s8, $0xb8;
	[tilespmem:$0x2880] =	vst v63  }
0x1f: {  	_ =	swait.ge [sflag:s10], $0x2800  }
.Ltmp0:
0x20: {  	[sflag:s10] =	ssyncset.done $0x0;
	(pc) =	sbr.rel @p0 .LBB2_2-.Ltmp0, $4  }
0x21: {  	[sflag:s10] =	ssyncadd.s32 $0xFFFFD800  }
0x22: {  	[hbm4b:s12+s3] =	stream.linear.scatter [tilespmem:s9], [sflag:$0x2], $0x2800, $0x38;
	[tilespmem:$0x2880] =	vst v63  }
0x23: {  	_ =	swait.ge [sflag:s7], $0x2800  }
0x24: {  	s14 =	smov.u32 s16;
	s12 =	sadd.s32 $0x500, s12;
	[sflag:s7] =	ssyncset.done $0x0  }
0x25: {  	s13 =	sadd.s32 s13, s6;
	[sflag:s7] =	ssyncadd.s32 $0xFFFFD800  }
0x26: {  	[tilespmem:s3], [sflag:$0x2] =	stream.linear.gather [hbm4b:s13+s3], $0x50, $0x38;
	[tilespmem:$0x2880] =	vst v63  }
0x27: {  	_ =	swait.ge [sflag:s7], $0x50  }
0x28: {  	[sflag:s7] =	ssyncset.done $0x0  }
0x29: {  	[sflag:s7] =	ssyncadd.s32 $0xFFFFFFB0  }
0x2a: {  	[tilespmem:s9], [sflag:$0x1] =	stream.indirect.gather [hbm4b:s1+s8], $0x80, s3, s8, $0xb8;
	[tilespmem:$0x2880] =	vst v63  }
0x2b: {  	s11 =	sadd.s32 $0x1, s11;
	_ =	swait.ge [sflag:s10], $0x2800  }
0x2c: {  	p0 =	sne.s32 s11, s4;
	[sflag:s10] =	ssyncset.done $0x0  }
.Ltmp1:
0x2d: {  	[sflag:s10] =	ssyncadd.s32 $0xFFFFD800;
	(pc) =	sbr.rel @p0 .LBB2_1-.Ltmp1, $4  }
0x2e: {  	[hbm4b:s12+s3] =	stream.linear.scatter [tilespmem:s9], [sflag:$0x2], $0x2800, $0x38;
	[tilespmem:$0x2880] =	vst v63  }
0x2f: {  	_ =	swait.ge [sflag:s7], $0x2800  }
0x30: {  	[sflag:s7] =	ssyncset.done $0x0  }
0x31: {  	[sflag:s7] =	ssyncadd.s32 $0xFFFFD800  }
0x32: {  	_ =	sfence.sel $0x180000  }
0x33: {  	[bflag:$0x0] =	sbarrier.arrive $0xFFFF  }
0x34: {  	p0 =	sne.s32 s0, $0x0;
	_ =	strace $0x9000004A  }
0x35: {  	s0 =	sadd.s32 @!p0 $0x100000, s2;
	[bflag:$0x2] =	sbarrier.arrive $0xFFFF  }
0x36: {  	[sflag:s0] =	ssyncadd.tile.s32 @!p0 $0x1;
	_ =	shalt  }
.Lfunc_end2:
_tile_overlayer_lowered:
.L_overlay_start_2:
0x37: {  	(tag) =	ssettag $0x2  }
0x38: {  	s0 =	rddreg [dreg:$0x0];
	s2 =	stileid.u32  }
0x39: {  	s1 =	rddreg [dreg:$0x1];
	p0 =	sne.s32 s2, $0x0  }
0x3a: {  	s3 =	rddreg [dreg:$0x2];
	[bflag:$0x3] =	sbarrier.arrive $0xFFFF;
	s2 =	simm.s32 @!p0 $0x1C02  }
0x3b: {  	[timem:s3], [sflag:s2] =	dma.local @!p0 [hbm:s0], s1  }
0x3c: {  	s0 =	simm.s32 @!p0 $0x2  }
0x3d: {  	_ =	swait.ge @!p0 [sflag:s0], s1  }
0x3e: {  	s1 =	ssub.s32 @!p0 $0x0, s1;
	[sflag:s0] =	ssyncset.done @!p0 $0x0  }
0x3f: {  	[sflag:s0] =	ssyncadd.s32 @!p0 s1  }
0x40: {  	[bflag:$0x3] =	sbarrier.arrive $0xFFFF  }
0x41: {  	_ =	shalt  }

</sc_bundles>
